<compile_context>
chip_gen: v7x
topology: tpu7x:2x2x1
jax: 0.10.2.dev20260603
libtpu: 0.0.44.dev20260713+nightly
codegen_flags: <defaults>
</compile_context>

<pallas_src>
import functools

import jax
import jax.numpy as jnp
from jax import lax
from jax.experimental import pallas as pl
from jax.experimental.pallas import tpu as pltpu
from jax.experimental.pallas import tpu_sc as plsc

K_POOL = 1024
N_CTX_ = 16
CTX_DIM_ = 768
TOPK = 32
L = 16
NC, NS = 1, 16
NVREG = CTX_DIM_ // L
CAND = 128


def _merge_split(ak, ai, bk, bi):
    rbk = lax.rev(bk, (0,))
    rbi = lax.rev(bi, (0,))
    take_a = ak >= rbk
    hk = jnp.where(take_a, ak, rbk)
    hi = jnp.where(take_a, ai, rbi)
    lk = jnp.where(take_a, rbk, ak)
    li = jnp.where(take_a, rbi, ai)
    hk, hi = plsc.sort_key_val(hk, hi, descending=True)
    lk, li = plsc.sort_key_val(lk, li, descending=True)
    return hk, hi, lk, li


def _top16_of(ak, ai, bk, bi):
    rbk = lax.rev(bk, (0,))
    rbi = lax.rev(bi, (0,))
    take_a = ak >= rbk
    hk = jnp.where(take_a, ak, rbk)
    hi = jnp.where(take_a, ai, rbi)
    return plsc.sort_key_val(hk, hi, descending=True)


def _sc_body(weights_hbm, table_hbm, out_hbm, w_v, idx_v, cand_k, cand_i,
             rows_v, acc_v, sem):
    n_row = lax.axis_index("s")

    pltpu.sync_copy(weights_hbm, w_v)

    i0 = lax.iota(jnp.int32, L)
    neg = jnp.full((L,), -3.0e38, jnp.float32)

    def seed_body(j, c):
        m1, i1, m2, i2 = c
        off = pl.multiple_of(j * L, L)
        v = w_v[pl.ds(off, L)]
        iv = i0 + j * L
        gt1 = v > m1
        gt2 = v > m2
        m2n = jnp.where(gt1, m1, jnp.where(gt2, v, m2))
        i2n = jnp.where(gt1, i1, jnp.where(gt2, iv, i2))
        return (jnp.where(gt1, v, m1), jnp.where(gt1, iv, i1), m2n, i2n)

    m1, i1, m2, i2 = lax.fori_loop(
        0, K_POOL // L, seed_body, (neg, i0, neg, i0))
    m1, i1 = plsc.sort_key_val(m1, i1, descending=True)
    m2, i2 = plsc.sort_key_val(m2, i2, descending=True)
    _, _, s1k, _ = _merge_split(m1, i1, m2, i2)
    thr = s1k[L - 1]

    for b in range(CAND // L):
        cand_k[pl.ds(b * L, L)] = neg

    def ext_body(j, cnt):
        off = pl.multiple_of(j * L, L)
        v = w_v[pl.ds(off, L)]
        iv = i0 + j * L
        msk = v >= thr
        csum = plsc.cumsum(msk.astype(jnp.int32))
        pos = jnp.minimum(cnt + csum - 1, CAND - 1)
        plsc.store_scatter(cand_k, [pos], v, mask=msk)
        plsc.store_scatter(cand_i, [pos], iv, mask=msk)
        return cnt + csum[L - 1]

    n_cand = lax.fori_loop(0, K_POOL // L, ext_body, jnp.int32(0))

    def _stream_topk(src_k, src_i, nvec):
        ak, ai = plsc.sort_key_val(src_k(0), src_i(0), descending=True)
        bk, bi = plsc.sort_key_val(src_k(1), src_i(1), descending=True)
        t0k, t0i, t1k, t1i = _merge_split(ak, ai, bk, bi)

        def body(j, carry):
            t0k, t0i, t1k, t1i, cthr = carry
            v = src_k(j)

            def do_merge(_):
                vk, vi = plsc.sort_key_val(v, src_i(j), descending=True)
                hk, hi = _top16_of(t1k, t1i, vk, vi)
                n0k, n0i, n1k, n1i = _merge_split(t0k, t0i, hk, hi)
                return n0k, n0i, n1k, n1i, n1k[L - 1]

            def skip(_):
                return carry

            return lax.cond(jnp.max(v) > cthr, do_merge, skip, 0)

        t0k, t0i, t1k, t1i, _ = lax.fori_loop(
            2, nvec, body, (t0k, t0i, t1k, t1i, t1k[L - 1]))
        return t0k, t0i, t1k, t1i

    def fast_path(_):
        return _stream_topk(
            lambda j: cand_k[pl.ds(pl.multiple_of(j * L, L), L)],
            lambda j: cand_i[pl.ds(pl.multiple_of(j * L, L), L)],
            CAND // L)

    def slow_path(_):
        return _stream_topk(
            lambda j: w_v[pl.ds(pl.multiple_of(j * L, L), L)],
            lambda j: i0 + j * L,
            K_POOL // L)

    t0k, t0i, t1k, t1i = lax.cond(n_cand < CAND, fast_path, slow_path, 0)

    s = jnp.broadcast_to(jnp.sum(t0k) + jnp.sum(t1k), (L,))
    one = jnp.ones((L,), jnp.float32)
    r = one / s
    r = r * (2.0 - s * r)
    wn0 = t0k * r
    wn1 = t1k * r
    idx_v[pl.ds(0, L)] = t0i * N_CTX_ + n_row
    idx_v[pl.ds(L, L)] = t1i * N_CTX_ + n_row

    pltpu.async_copy(table_hbm.at[idx_v], rows_v, sem).wait()

    gdn = lax.GatherDimensionNumbers(
        offset_dims=(), collapsed_slice_dims=(0,), start_index_map=(0,))

    def _gather1d(src, lv):
        return lax.gather(
            src, lv[:, None], dimension_numbers=gdn, slice_sizes=(1,),
            mode=lax.GatherScatterMode.PROMISE_IN_BOUNDS)

    def acc_body(i, acc):
        iv = jnp.broadcast_to(i, (L,)).astype(jnp.int32)
        lv = jnp.bitwise_and(iv, L - 1)
        wv = jnp.where(iv < L, _gather1d(wn0, lv), _gather1d(wn1, lv))
        return tuple(
            acc[c] + rows_v[i, pl.ds(c * L, L)] * wv
            for c in range(NVREG))

    acc = lax.fori_loop(
        0, TOPK, acc_body,
        tuple(jnp.zeros((L,), jnp.float32) for _ in range(NVREG)))
    for c in range(NVREG):
        acc_v[pl.ds(c * L, L)] = acc[c]

    pltpu.sync_copy(acc_v, out_hbm.at[n_row])


_mesh = plsc.VectorSubcoreMesh(core_axis_name="c", subcore_axis_name="s",
                               num_cores=NC, num_subcores=NS)

_prompt_pool_sc = functools.partial(
    pl.kernel,
    out_type=jax.ShapeDtypeStruct((N_CTX_, CTX_DIM_), jnp.float32),
    mesh=_mesh,
    scratch_types=[
        pltpu.VMEM((K_POOL,), jnp.float32),
        pltpu.VMEM((TOPK,), jnp.int32),
        pltpu.VMEM((CAND,), jnp.float32),
        pltpu.VMEM((CAND,), jnp.int32),
        pltpu.VMEM((TOPK, CTX_DIM_), jnp.float32),
        pltpu.VMEM((CTX_DIM_,), jnp.float32),
        pltpu.SemaphoreType.DMA,
    ],
    compiler_params=pltpu.CompilerParams(needs_layout_passes=False),
)(_sc_body)


def kernel(weights, prompts, top_m):
    del top_m
    table = prompts.reshape(K_POOL * N_CTX_, CTX_DIM_)
    return _prompt_pool_sc(weights, table)

# --- scband reference (transcript-rebuilt; emitter-appended) ---
"""Pipeline reference for scband-prompt-pool-38079180046980 (READ-ONLY COPY).

The authoritative reference and input builder live on the scoring server;
editing this copy changes nothing except your own understanding.
"""

import jax, jax.numpy as jnp
import numpy as np

K = 1024
N_CTX = 16
CTX_DIM = 768
TOP_M = 32

def setup_inputs(seed: int = 0) -> dict:
    key = jax.random.key(seed)
    k1, k2, k3 = jax.random.split(key, 3)
    weights = jax.random.uniform(k1, (K,), dtype=jnp.float32)
    base_prompt = jax.random.normal(k2, (N_CTX, CTX_DIM), dtype=jnp.float32)
    # PromptPool._random_init: repeat base prompt K times + 0.02 * noise
    prompts = jnp.repeat(base_prompt[None, :, :], K, axis=0) + 0.02 * jax.random.normal(k3, (K, N_CTX, CTX_DIM), dtype=jnp.float32)
    top_m = TOP_M  # python int scalar
    return {"weights": weights, "prompts": prompts, "top_m": top_m}

def reference(weights, prompts, top_m):
    # get_prompt: top-m masking of pool weights, renormalize, weighted sum of prompts
    if top_m is not None and TOP_M < weights.size:
        _, topk_idx = jax.lax.top_k(weights, TOP_M)
        mask_val = (top_m / TOP_M).astype(weights.dtype) if hasattr(top_m, "astype") else jnp.asarray(top_m / TOP_M, dtype=weights.dtype)
        mask = jnp.zeros_like(weights).at[topk_idx].set(mask_val)
        weights = weights * mask
        weights = weights / jnp.sum(weights)
    ctx = jnp.einsum('k,knd->nd', weights, prompts)
    return ctx

if __name__ == "__main__":
    import jax
    _d = setup_inputs()
    print(jax.jit(kernel)(*tuple(_d.values())))

</pallas_src>

<mosaic_0001>
#map = affine_map<(d0, d1) -> (0)>
#map1 = affine_map<(d0, d1) -> (0, 0)>
module attributes {stable_mosaic.version = 14 : i64} {
  func.func @_sc_body(%arg0: i32, %arg1: i32, %arg2: memref<1024xf32, #tpu.memory_space<hbm>>, %arg3: memref<16384x768xf32, #tpu.memory_space<hbm>>, %arg4: memref<16x768xf32, #tpu.memory_space<hbm>>, %arg5: memref<1024xf32, #tpu.memory_space<vmem>>, %arg6: memref<32xi32, #tpu.memory_space<vmem>>, %arg7: memref<128xf32, #tpu.memory_space<vmem>>, %arg8: memref<128xi32, #tpu.memory_space<vmem>>, %arg9: memref<32x768xf32, #tpu.memory_space<vmem>>, %arg10: memref<768xf32, #tpu.memory_space<vmem>>, %arg11: memref<!tpu.dma_semaphore, #tpu.memory_space<semaphore_mem>>) attributes {dimension_semantics = [#tpu.dimension_semantics<core_parallel>, #tpu.dimension_semantics<subcore_parallel>], iteration_bounds = array<i64: 1, 16>, scalar_prefetch = 0 : i64, scratch_operands = 7 : i64, tpu.core_type = #tpu.core_type<sc_vector_subcore>, window_params = [{transform_indices = #map}, {transform_indices = #map1}, {transform_indices = #map1}]} {
    "tpu.region"() ({
      %run_scoped3A = tpu.sem_alloc : memref<!tpu.dma_semaphore, #tpu.memory_space<semaphore_mem>>
      tpu.enqueue_dma source(%arg2 : memref<1024xf32, #tpu.memory_space<hbm>>) target(%arg5 : memref<1024xf32, #tpu.memory_space<vmem>>) target_semaphore(%run_scoped3A : memref<!tpu.dma_semaphore, #tpu.memory_space<semaphore_mem>>)
      tpu.wait_dma2 semaphore(%run_scoped3A : memref<!tpu.dma_semaphore, #tpu.memory_space<semaphore_mem>>) src(%arg2 : memref<1024xf32, #tpu.memory_space<hbm>>) dst(%arg5 : memref<1024xf32, #tpu.memory_space<vmem>>)
      tpu.yield
    }) : () -> ()
    %iota3A = tpu.iota {dimensions = array<i32: 0>} : vector<16xi32>
    %broadcast_in_dim3A = arith.constant -3.000000e+38 : f32
    %broadcast_in_dim3A_0 = vector.broadcast %broadcast_in_dim3A : f32 to vector<16xf32>
    %scan3A = arith.constant 0 : i32
    %scan3A_1 = arith.constant 64 : i32
    %scan3A_2 = arith.addi %scan3A, %scan3A_1 : i32
    %scan3A_3 = arith.constant 1 : i32
    %scan3A_4:4 = scf.for %scan3A_290 = %scan3A to %scan3A_2 step %scan3A_3 iter_args(%scan3A_291 = %broadcast_in_dim3A_0, %scan3A_292 = %iota3A, %scan3A_293 = %broadcast_in_dim3A_0, %scan3A_294 = %iota3A) -> (vector<16xf32>, vector<16xi32>, vector<16xf32>, vector<16xi32>)  : i32 {
      %mul3A_295 = arith.constant 16 : i32
      %mul3A_296 = arith.muli %scan3A_290, %mul3A_295 : i32
      %multiple_of3A = tpu.assume_multiple %mul3A_296, 16 : i32
      %get3A = arith.index_cast %multiple_of3A : i32 to index
      %get3A_297 = tpu.vector_load %arg5[%get3A] {strides = array<i32>} : memref<1024xf32, #tpu.memory_space<vmem>>, vector<16xf32>,
      %mul3A_298 = arith.constant 16 : i32
      %mul3A_299 = arith.muli %scan3A_290, %mul3A_298 : i32
      %add3A_300 = vector.broadcast %mul3A_299 : i32 to vector<16xi32>
      %add3A_301 = arith.addi %iota3A, %add3A_300 : vector<16xi32>
      %gt3A = arith.cmpf ogt, %get3A_297, %scan3A_291 : vector<16xf32>
      %gt3A_302 = arith.cmpf ogt, %get3A_297, %scan3A_293 : vector<16xf32>
      %select_n3A_303 = arith.select %gt3A_302, %get3A_297, %scan3A_293 : vector<16xi1>, vector<16xf32>
      %select_n3A_304 = arith.select %gt3A, %scan3A_291, %select_n3A_303 : vector<16xi1>, vector<16xf32>
      %select_n3A_305 = arith.select %gt3A_302, %add3A_301, %scan3A_294 : vector<16xi1>, vector<16xi32>
      %select_n3A_306 = arith.select %gt3A, %scan3A_292, %select_n3A_305 : vector<16xi1>, vector<16xi32>
      %select_n3A_307 = arith.select %gt3A, %get3A_297, %scan3A_291 : vector<16xi1>, vector<16xf32>
      %select_n3A_308 = arith.select %gt3A, %add3A_301, %scan3A_292 : vector<16xi1>, vector<16xi32>
      scf.yield %select_n3A_307, %select_n3A_308, %select_n3A_304, %select_n3A_306 : vector<16xf32>, vector<16xi32>, vector<16xf32>, vector<16xi32>
    }
    %scan3A_5 = arith.constant 64 : i32
    %masked_sort3A = arith.constant dense<true> : vector<16xi1>
    %masked_sort3A_6, %masked_sort3A_7, %masked_sort3A_8 = tpu.sort %scan3A_4#0, %scan3A_4#1 masked %masked_sort3A {descending = true} : (vector<16xf32>, vector<16xi32>, vector<16xi1>) -> (vector<16xi1>, vector<16xf32>, vector<16xi32>)
    %masked_sort3A_9 = arith.constant dense<true> : vector<16xi1>
    %masked_sort3A_10, %masked_sort3A_11, %masked_sort3A_12 = tpu.sort %scan3A_4#2, %scan3A_4#3 masked %masked_sort3A_9 {descending = true} : (vector<16xf32>, vector<16xi32>, vector<16xi1>) -> (vector<16xi1>, vector<16xf32>, vector<16xi32>)
    %rev3A = arith.constant 15 : i32
    %rev3A_13 = vector.broadcast %rev3A : i32 to vector<16xi32>
    %rev3A_14 = tpu.iota {dimensions = array<i32: 0>} : vector<16xi32>
    %rev3A_15 = arith.subi %rev3A_13, %rev3A_14 : vector<16xi32>
    %rev3A_16 = tpu.dynamic_gather %masked_sort3A_11[%rev3A_15] in [0] : vector<16xf32>, vector<16xi32> -> vector<16xf32>
    %rev3A_17 = arith.constant 15 : i32
    %rev3A_18 = vector.broadcast %rev3A_17 : i32 to vector<16xi32>
    %rev3A_19 = tpu.iota {dimensions = array<i32: 0>} : vector<16xi32>
    %rev3A_20 = arith.subi %rev3A_18, %rev3A_19 : vector<16xi32>
    %rev3A_21 = tpu.dynamic_gather %masked_sort3A_12[%rev3A_20] in [0] : vector<16xi32>, vector<16xi32> -> vector<16xi32>
    %ge3A = arith.cmpf oge, %masked_sort3A_7, %rev3A_16 : vector<16xf32>
    %select_n3A = arith.select %ge3A, %masked_sort3A_7, %rev3A_16 : vector<16xi1>, vector<16xf32>
    %select_n3A_22 = arith.select %ge3A, %masked_sort3A_8, %rev3A_21 : vector<16xi1>, vector<16xi32>
    %select_n3A_23 = arith.select %ge3A, %rev3A_16, %masked_sort3A_7 : vector<16xi1>, vector<16xf32>
    %select_n3A_24 = arith.select %ge3A, %rev3A_21, %masked_sort3A_8 : vector<16xi1>, vector<16xi32>
    %masked_sort3A_25 = arith.constant dense<true> : vector<16xi1>
    %masked_sort3A_26, %masked_sort3A_27, %masked_sort3A_28 = tpu.sort %select_n3A, %select_n3A_22 masked %masked_sort3A_25 {descending = true} : (vector<16xf32>, vector<16xi32>, vector<16xi1>) -> (vector<16xi1>, vector<16xf32>, vector<16xi32>)
    %masked_sort3A_29 = arith.constant dense<true> : vector<16xi1>
    %masked_sort3A_30, %masked_sort3A_31, %masked_sort3A_32 = tpu.sort %select_n3A_23, %select_n3A_24 masked %masked_sort3A_29 {descending = true} : (vector<16xf32>, vector<16xi32>, vector<16xi1>) -> (vector<16xi1>, vector<16xf32>, vector<16xi32>)
    %slice3A = vector.extract_strided_slice %masked_sort3A_31 {offsets = [15], sizes = [1], strides = [1]} : vector<16xf32> to vector<1xf32>
    %squeeze3A = vector.extract %slice3A[0] : f32 from vector<1xf32>
    %swap3A = arith.constant 0 : index
    %swap3A_33 = tpu.vector_load %arg7[%swap3A] {strides = array<i32>} : memref<128xf32, #tpu.memory_space<vmem>>, vector<16xf32>,
    tpu.vector_store %arg7[%swap3A], %broadcast_in_dim3A_0 {strides = array<i32>} : memref<128xf32, #tpu.memory_space<vmem>>, vector<16xf32>,
    %swap3A_34 = arith.constant 16 : index
    %swap3A_35 = tpu.vector_load %arg7[%swap3A_34] {strides = array<i32>} : memref<128xf32, #tpu.memory_space<vmem>>, vector<16xf32>,
    tpu.vector_store %arg7[%swap3A_34], %broadcast_in_dim3A_0 {strides = array<i32>} : memref<128xf32, #tpu.memory_space<vmem>>, vector<16xf32>,
    %swap3A_36 = arith.constant 32 : index
    %swap3A_37 = tpu.vector_load %arg7[%swap3A_36] {strides = array<i32>} : memref<128xf32, #tpu.memory_space<vmem>>, vector<16xf32>,
    tpu.vector_store %arg7[%swap3A_36], %broadcast_in_dim3A_0 {strides = array<i32>} : memref<128xf32, #tpu.memory_space<vmem>>, vector<16xf32>,
    %swap3A_38 = arith.constant 48 : index
    %swap3A_39 = tpu.vector_load %arg7[%swap3A_38] {strides = array<i32>} : memref<128xf32, #tpu.memory_space<vmem>>, vector<16xf32>,
    tpu.vector_store %arg7[%swap3A_38], %broadcast_in_dim3A_0 {strides = array<i32>} : memref<128xf32, #tpu.memory_space<vmem>>, vector<16xf32>,
    %swap3A_40 = arith.constant 64 : index
    %swap3A_41 = tpu.vector_load %arg7[%swap3A_40] {strides = array<i32>} : memref<128xf32, #tpu.memory_space<vmem>>, vector<16xf32>,
    tpu.vector_store %arg7[%swap3A_40], %broadcast_in_dim3A_0 {strides = array<i32>} : memref<128xf32, #tpu.memory_space<vmem>>, vector<16xf32>,
    %swap3A_42 = arith.constant 80 : index
    %swap3A_43 = tpu.vector_load %arg7[%swap3A_42] {strides = array<i32>} : memref<128xf32, #tpu.memory_space<vmem>>, vector<16xf32>,
    tpu.vector_store %arg7[%swap3A_42], %broadcast_in_dim3A_0 {strides = array<i32>} : memref<128xf32, #tpu.memory_space<vmem>>, vector<16xf32>,
    %swap3A_44 = arith.constant 96 : index
    %swap3A_45 = tpu.vector_load %arg7[%swap3A_44] {strides = array<i32>} : memref<128xf32, #tpu.memory_space<vmem>>, vector<16xf32>,
    tpu.vector_store %arg7[%swap3A_44], %broadcast_in_dim3A_0 {strides = array<i32>} : memref<128xf32, #tpu.memory_space<vmem>>, vector<16xf32>,
    %swap3A_46 = arith.constant 112 : index
    %swap3A_47 = tpu.vector_load %arg7[%swap3A_46] {strides = array<i32>} : memref<128xf32, #tpu.memory_space<vmem>>, vector<16xf32>,
    tpu.vector_store %arg7[%swap3A_46], %broadcast_in_dim3A_0 {strides = array<i32>} : memref<128xf32, #tpu.memory_space<vmem>>, vector<16xf32>,
    %scan3A_48 = arith.constant 0 : i32
    %scan3A_49 = arith.constant 0 : i32
    %scan3A_50 = arith.constant 64 : i32
    %scan3A_51 = arith.addi %scan3A_49, %scan3A_50 : i32
    %scan3A_52 = arith.constant 1 : i32
    %scan3A_53 = scf.for %scan3A_290 = %scan3A_49 to %scan3A_51 step %scan3A_52 iter_args(%scan3A_291 = %scan3A_48) -> (i32)  : i32 {
      %mul3A_292 = arith.constant 16 : i32
      %mul3A_293 = arith.muli %scan3A_290, %mul3A_292 : i32
      %multiple_of3A = tpu.assume_multiple %mul3A_293, 16 : i32
      %get3A = arith.index_cast %multiple_of3A : i32 to index
      %get3A_294 = tpu.vector_load %arg5[%get3A] {strides = array<i32>} : memref<1024xf32, #tpu.memory_space<vmem>>, vector<16xf32>,
      %mul3A_295 = arith.constant 16 : i32
      %mul3A_296 = arith.muli %scan3A_290, %mul3A_295 : i32
      %add3A_297 = vector.broadcast %mul3A_296 : i32 to vector<16xi32>
      %add3A_298 = arith.addi %iota3A, %add3A_297 : vector<16xi32>
      %ge3A_299 = vector.broadcast %squeeze3A : f32 to vector<16xf32>
      %ge3A_300 = arith.cmpf oge, %get3A_294, %ge3A_299 : vector<16xf32>
      %convert_element_type3A_301 = arith.extui %ge3A_300 : vector<16xi1> to vector<16xi32>
      %broadcast_in_dim3A_302 = arith.constant true
      %broadcast_in_dim3A_303 = vector.broadcast %broadcast_in_dim3A_302 : i1 to vector<16xi1>
      %masked_cumsum3A = tpu.scan <sum>, %convert_element_type3A_301 masked %broadcast_in_dim3A_303 : vector<16xi32>, vector<16xi1> -> vector<16xi32>
      %add3A_304 = vector.broadcast %scan3A_291 : i32 to vector<16xi32>
      %add3A_305 = arith.addi %add3A_304, %masked_cumsum3A : vector<16xi32>
      %sub3A_306 = arith.constant 1 : i32
      %sub3A_307 = vector.broadcast %sub3A_306 : i32 to vector<16xi32>
      %sub3A_308 = arith.subi %add3A_305, %sub3A_307 : vector<16xi32>
      %min3A = arith.constant 127 : i32
      %min3A_309 = vector.broadcast %min3A : i32 to vector<16xi32>
      %min3A_310 = arith.minsi %sub3A_308, %min3A_309 : vector<16xi32>
      tpu.vector_store_idx %arg7[%min3A_310], %get3A_294 masked %ge3A_300 : memref<128xf32, #tpu.memory_space<vmem>>[vector<16xi32>], vector<16xf32>, vector<16xi1>
      tpu.vector_store_idx %arg8[%min3A_310], %add3A_298 masked %ge3A_300 : memref<128xi32, #tpu.memory_space<vmem>>[vector<16xi32>], vector<16xi32>, vector<16xi1>
      %slice3A_311 = vector.extract_strided_slice %masked_cumsum3A {offsets = [15], sizes = [1], strides = [1]} : vector<16xi32> to vector<1xi32>
      %squeeze3A_312 = vector.extract %slice3A_311[0] : i32 from vector<1xi32>
      %add3A_313 = arith.addi %scan3A_291, %squeeze3A_312 : i32
      scf.yield %add3A_313 : i32
    }
    %scan3A_54 = arith.constant 64 : i32
    %lt3A = arith.constant 128 : i32
    %lt3A_55 = arith.cmpi slt, %scan3A_53, %lt3A : i32
    %convert_element_type3A = arith.extui %lt3A_55 : i1 to i32
    %cond3A = arith.constant 0 : i32
    %cond3A_56 = arith.constant 0 : i32
    %cond3A_57 = arith.cmpi ne, %convert_element_type3A, %cond3A_56 : i32
    %cond3A_58:4 = scf.if %cond3A_57 -> (vector<16xf32>, vector<16xi32>, vector<16xf32>, vector<16xi32>) {
      %multiple_of3A = arith.constant 0 : i32
      %multiple_of3A_290 = tpu.assume_multiple %multiple_of3A, 16 : i32
      %get3A = arith.index_cast %multiple_of3A_290 : i32 to index
      %get3A_291 = tpu.vector_load %arg7[%get3A] {strides = array<i32>} : memref<128xf32, #tpu.memory_space<vmem>>, vector<16xf32>,
      %multiple_of3A_292 = arith.constant 0 : i32
      %multiple_of3A_293 = tpu.assume_multiple %multiple_of3A_292, 16 : i32
      %get3A_294 = arith.index_cast %multiple_of3A_293 : i32 to index
      %get3A_295 = tpu.vector_load %arg8[%get3A_294] {strides = array<i32>} : memref<128xi32, #tpu.memory_space<vmem>>, vector<16xi32>,
      %masked_sort3A_296 = arith.constant dense<true> : vector<16xi1>
      %masked_sort3A_297, %masked_sort3A_298, %masked_sort3A_299 = tpu.sort %get3A_291, %get3A_295 masked %masked_sort3A_296 {descending = true} : (vector<16xf32>, vector<16xi32>, vector<16xi1>) -> (vector<16xi1>, vector<16xf32>, vector<16xi32>)
      %multiple_of3A_300 = arith.constant 16 : i32
      %multiple_of3A_301 = tpu.assume_multiple %multiple_of3A_300, 16 : i32
      %get3A_302 = arith.index_cast %multiple_of3A_301 : i32 to index
      %get3A_303 = tpu.vector_load %arg7[%get3A_302] {strides = array<i32>} : memref<128xf32, #tpu.memory_space<vmem>>, vector<16xf32>,
      %multiple_of3A_304 = arith.constant 16 : i32
      %multiple_of3A_305 = tpu.assume_multiple %multiple_of3A_304, 16 : i32
      %get3A_306 = arith.index_cast %multiple_of3A_305 : i32 to index
      %get3A_307 = tpu.vector_load %arg8[%get3A_306] {strides = array<i32>} : memref<128xi32, #tpu.memory_space<vmem>>, vector<16xi32>,
      %masked_sort3A_308 = arith.constant dense<true> : vector<16xi1>
      %masked_sort3A_309, %masked_sort3A_310, %masked_sort3A_311 = tpu.sort %get3A_303, %get3A_307 masked %masked_sort3A_308 {descending = true} : (vector<16xf32>, vector<16xi32>, vector<16xi1>) -> (vector<16xi1>, vector<16xf32>, vector<16xi32>)
      %rev3A_312 = arith.constant 15 : i32
      %rev3A_313 = vector.broadcast %rev3A_312 : i32 to vector<16xi32>
      %rev3A_314 = tpu.iota {dimensions = array<i32: 0>} : vector<16xi32>
      %rev3A_315 = arith.subi %rev3A_313, %rev3A_314 : vector<16xi32>
      %rev3A_316 = tpu.dynamic_gather %masked_sort3A_310[%rev3A_315] in [0] : vector<16xf32>, vector<16xi32> -> vector<16xf32>
      %rev3A_317 = arith.constant 15 : i32
      %rev3A_318 = vector.broadcast %rev3A_317 : i32 to vector<16xi32>
      %rev3A_319 = tpu.iota {dimensions = array<i32: 0>} : vector<16xi32>
      %rev3A_320 = arith.subi %rev3A_318, %rev3A_319 : vector<16xi32>
      %rev3A_321 = tpu.dynamic_gather %masked_sort3A_311[%rev3A_320] in [0] : vector<16xi32>, vector<16xi32> -> vector<16xi32>
      %ge3A_322 = arith.cmpf oge, %masked_sort3A_298, %rev3A_316 : vector<16xf32>
      %select_n3A_323 = arith.select %ge3A_322, %masked_sort3A_298, %rev3A_316 : vector<16xi1>, vector<16xf32>
      %select_n3A_324 = arith.select %ge3A_322, %masked_sort3A_299, %rev3A_321 : vector<16xi1>, vector<16xi32>
      %select_n3A_325 = arith.select %ge3A_322, %rev3A_316, %masked_sort3A_298 : vector<16xi1>, vector<16xf32>
      %select_n3A_326 = arith.select %ge3A_322, %rev3A_321, %masked_sort3A_299 : vector<16xi1>, vector<16xi32>
      %masked_sort3A_327 = arith.constant dense<true> : vector<16xi1>
      %masked_sort3A_328, %masked_sort3A_329, %masked_sort3A_330 = tpu.sort %select_n3A_323, %select_n3A_324 masked %masked_sort3A_327 {descending = true} : (vector<16xf32>, vector<16xi32>, vector<16xi1>) -> (vector<16xi1>, vector<16xf32>, vector<16xi32>)
      %masked_sort3A_331 = arith.constant dense<true> : vector<16xi1>
      %masked_sort3A_332, %masked_sort3A_333, %masked_sort3A_334 = tpu.sort %select_n3A_325, %select_n3A_326 masked %masked_sort3A_331 {descending = true} : (vector<16xf32>, vector<16xi32>, vector<16xi1>) -> (vector<16xi1>, vector<16xf32>, vector<16xi32>)
      %slice3A_335 = vector.extract_strided_slice %masked_sort3A_333 {offsets = [15], sizes = [1], strides = [1]} : vector<16xf32> to vector<1xf32>
      %squeeze3A_336 = vector.extract %slice3A_335[0] : f32 from vector<1xf32>
      %scan3A_337 = arith.constant 2 : i32
      %scan3A_338 = arith.constant 6 : i32
      %scan3A_339 = arith.addi %scan3A_337, %scan3A_338 : i32
      %scan3A_340 = arith.constant 1 : i32
      %scan3A_341:5 = scf.for %scan3A_343 = %scan3A_337 to %scan3A_339 step %scan3A_340 iter_args(%scan3A_344 = %masked_sort3A_329, %scan3A_345 = %masked_sort3A_330, %scan3A_346 = %masked_sort3A_333, %scan3A_347 = %masked_sort3A_334, %scan3A_348 = %squeeze3A_336) -> (vector<16xf32>, vector<16xi32>, vector<16xf32>, vector<16xi32>, f32)  : i32 {
        %mul3A_349 = arith.constant 16 : i32
        %mul3A_350 = arith.muli %scan3A_343, %mul3A_349 : i32
        %multiple_of3A_351 = tpu.assume_multiple %mul3A_350, 16 : i32
        %get3A_352 = arith.index_cast %multiple_of3A_351 : i32 to index
        %get3A_353 = tpu.vector_load %arg7[%get3A_352] {strides = array<i32>} : memref<128xf32, #tpu.memory_space<vmem>>, vector<16xf32>,
        %reduce_max3A = arith.constant true
        %reduce_max3A_354 = vector.broadcast %reduce_max3A : i1 to vector<16xi1>
        %reduce_max3A_355 = tpu.scan <max>, %get3A_353 masked %reduce_max3A_354 : vector<16xf32>, vector<16xi1> -> vector<16xf32>
        %reduce_max3A_356 = vector.extract %reduce_max3A_355[15] : f32 from vector<16xf32>
        %gt3A = arith.cmpf ogt, %reduce_max3A_356, %scan3A_348 : f32
        %convert_element_type3A_357 = arith.extui %gt3A : i1 to i32
        %cond3A_358 = arith.constant 0 : i32
        %cond3A_359 = arith.constant 0 : i32
        %cond3A_360 = arith.cmpi ne, %convert_element_type3A_357, %cond3A_359 : i32
        %cond3A_361:5 = scf.if %cond3A_360 -> (vector<16xf32>, vector<16xi32>, vector<16xf32>, vector<16xi32>, f32) {
          %mul3A_362 = arith.constant 16 : i32
          %mul3A_363 = arith.muli %scan3A_343, %mul3A_362 : i32
          %multiple_of3A_364 = tpu.assume_multiple %mul3A_363, 16 : i32
          %get3A_365 = arith.index_cast %multiple_of3A_364 : i32 to index
          %get3A_366 = tpu.vector_load %arg8[%get3A_365] {strides = array<i32>} : memref<128xi32, #tpu.memory_space<vmem>>, vector<16xi32>,
          %masked_sort3A_367 = arith.constant dense<true> : vector<16xi1>
          %masked_sort3A_368, %masked_sort3A_369, %masked_sort3A_370 = tpu.sort %get3A_353, %get3A_366 masked %masked_sort3A_367 {descending = true} : (vector<16xf32>, vector<16xi32>, vector<16xi1>) -> (vector<16xi1>, vector<16xf32>, vector<16xi32>)
          %rev3A_371 = arith.constant 15 : i32
          %rev3A_372 = vector.broadcast %rev3A_371 : i32 to vector<16xi32>
          %rev3A_373 = tpu.iota {dimensions = array<i32: 0>} : vector<16xi32>
          %rev3A_374 = arith.subi %rev3A_372, %rev3A_373 : vector<16xi32>
          %rev3A_375 = tpu.dynamic_gather %masked_sort3A_369[%rev3A_374] in [0] : vector<16xf32>, vector<16xi32> -> vector<16xf32>
          %rev3A_376 = arith.constant 15 : i32
          %rev3A_377 = vector.broadcast %rev3A_376 : i32 to vector<16xi32>
          %rev3A_378 = tpu.iota {dimensions = array<i32: 0>} : vector<16xi32>
          %rev3A_379 = arith.subi %rev3A_377, %rev3A_378 : vector<16xi32>
          %rev3A_380 = tpu.dynamic_gather %masked_sort3A_370[%rev3A_379] in [0] : vector<16xi32>, vector<16xi32> -> vector<16xi32>
          %ge3A_381 = arith.cmpf oge, %scan3A_346, %rev3A_375 : vector<16xf32>
          %select_n3A_382 = arith.select %ge3A_381, %scan3A_346, %rev3A_375 : vector<16xi1>, vector<16xf32>
          %select_n3A_383 = arith.select %ge3A_381, %scan3A_347, %rev3A_380 : vector<16xi1>, vector<16xi32>
          %masked_sort3A_384 = arith.constant dense<true> : vector<16xi1>
          %masked_sort3A_385, %masked_sort3A_386, %masked_sort3A_387 = tpu.sort %select_n3A_382, %select_n3A_383 masked %masked_sort3A_384 {descending = true} : (vector<16xf32>, vector<16xi32>, vector<16xi1>) -> (vector<16xi1>, vector<16xf32>, vector<16xi32>)
          %rev3A_388 = arith.constant 15 : i32
          %rev3A_389 = vector.broadcast %rev3A_388 : i32 to vector<16xi32>
          %rev3A_390 = tpu.iota {dimensions = array<i32: 0>} : vector<16xi32>
          %rev3A_391 = arith.subi %rev3A_389, %rev3A_390 : vector<16xi32>
          %rev3A_392 = tpu.dynamic_gather %masked_sort3A_386[%rev3A_391] in [0] : vector<16xf32>, vector<16xi32> -> vector<16xf32>
          %rev3A_393 = arith.constant 15 : i32
          %rev3A_394 = vector.broadcast %rev3A_393 : i32 to vector<16xi32>
          %rev3A_395 = tpu.iota {dimensions = array<i32: 0>} : vector<16xi32>
          %rev3A_396 = arith.subi %rev3A_394, %rev3A_395 : vector<16xi32>
          %rev3A_397 = tpu.dynamic_gather %masked_sort3A_387[%rev3A_396] in [0] : vector<16xi32>, vector<16xi32> -> vector<16xi32>
          %ge3A_398 = arith.cmpf oge, %scan3A_344, %rev3A_392 : vector<16xf32>
          %select_n3A_399 = arith.select %ge3A_398, %scan3A_344, %rev3A_392 : vector<16xi1>, vector<16xf32>
          %select_n3A_400 = arith.select %ge3A_398, %scan3A_345, %rev3A_397 : vector<16xi1>, vector<16xi32>
          %select_n3A_401 = arith.select %ge3A_398, %rev3A_392, %scan3A_344 : vector<16xi1>, vector<16xf32>
          %select_n3A_402 = arith.select %ge3A_398, %rev3A_397, %scan3A_345 : vector<16xi1>, vector<16xi32>
          %masked_sort3A_403 = arith.constant dense<true> : vector<16xi1>
          %masked_sort3A_404, %masked_sort3A_405, %masked_sort3A_406 = tpu.sort %select_n3A_399, %select_n3A_400 masked %masked_sort3A_403 {descending = true} : (vector<16xf32>, vector<16xi32>, vector<16xi1>) -> (vector<16xi1>, vector<16xf32>, vector<16xi32>)
          %masked_sort3A_407 = arith.constant dense<true> : vector<16xi1>
          %masked_sort3A_408, %masked_sort3A_409, %masked_sort3A_410 = tpu.sort %select_n3A_401, %select_n3A_402 masked %masked_sort3A_407 {descending = true} : (vector<16xf32>, vector<16xi32>, vector<16xi1>) -> (vector<16xi1>, vector<16xf32>, vector<16xi32>)
          %slice3A_411 = vector.extract_strided_slice %masked_sort3A_409 {offsets = [15], sizes = [1], strides = [1]} : vector<16xf32> to vector<1xf32>
          %squeeze3A_412 = vector.extract %slice3A_411[0] : f32 from vector<1xf32>
          scf.yield %masked_sort3A_405, %masked_sort3A_406, %masked_sort3A_409, %masked_sort3A_410, %squeeze3A_412 : vector<16xf32>, vector<16xi32>, vector<16xf32>, vector<16xi32>, f32
        } else {
          scf.yield %scan3A_344, %scan3A_345, %scan3A_346, %scan3A_347, %scan3A_348 : vector<16xf32>, vector<16xi32>, vector<16xf32>, vector<16xi32>, f32
        }
        scf.yield %cond3A_361#0, %cond3A_361#1, %cond3A_361#2, %cond3A_361#3, %cond3A_361#4 : vector<16xf32>, vector<16xi32>, vector<16xf32>, vector<16xi32>, f32
      }
      %scan3A_342 = arith.constant 6 : i32
      scf.yield %scan3A_341#0, %scan3A_341#1, %scan3A_341#2, %scan3A_341#3 : vector<16xf32>, vector<16xi32>, vector<16xf32>, vector<16xi32>
    } else {
      %multiple_of3A = arith.constant 0 : i32
      %multiple_of3A_290 = tpu.assume_multiple %multiple_of3A, 16 : i32
      %get3A = arith.index_cast %multiple_of3A_290 : i32 to index
      %get3A_291 = tpu.vector_load %arg5[%get3A] {strides = array<i32>} : memref<1024xf32, #tpu.memory_space<vmem>>, vector<16xf32>,
      %add3A_292 = arith.constant 0 : i32
      %add3A_293 = vector.broadcast %add3A_292 : i32 to vector<16xi32>
      %add3A_294 = arith.addi %iota3A, %add3A_293 : vector<16xi32>
      %masked_sort3A_295 = arith.constant dense<true> : vector<16xi1>
      %masked_sort3A_296, %masked_sort3A_297, %masked_sort3A_298 = tpu.sort %get3A_291, %add3A_294 masked %masked_sort3A_295 {descending = true} : (vector<16xf32>, vector<16xi32>, vector<16xi1>) -> (vector<16xi1>, vector<16xf32>, vector<16xi32>)
      %multiple_of3A_299 = arith.constant 16 : i32
      %multiple_of3A_300 = tpu.assume_multiple %multiple_of3A_299, 16 : i32
      %get3A_301 = arith.index_cast %multiple_of3A_300 : i32 to index
      %get3A_302 = tpu.vector_load %arg5[%get3A_301] {strides = array<i32>} : memref<1024xf32, #tpu.memory_space<vmem>>, vector<16xf32>,
      %add3A_303 = arith.constant 16 : i32
      %add3A_304 = vector.broadcast %add3A_303 : i32 to vector<16xi32>
      %add3A_305 = arith.addi %iota3A, %add3A_304 : vector<16xi32>
      %masked_sort3A_306 = arith.constant dense<true> : vector<16xi1>
      %masked_sort3A_307, %masked_sort3A_308, %masked_sort3A_309 = tpu.sort %get3A_302, %add3A_305 masked %masked_sort3A_306 {descending = true} : (vector<16xf32>, vector<16xi32>, vector<16xi1>) -> (vector<16xi1>, vector<16xf32>, vector<16xi32>)
      %rev3A_310 = arith.constant 15 : i32
      %rev3A_311 = vector.broadcast %rev3A_310 : i32 to vector<16xi32>
      %rev3A_312 = tpu.iota {dimensions = array<i32: 0>} : vector<16xi32>
      %rev3A_313 = arith.subi %rev3A_311, %rev3A_312 : vector<16xi32>
      %rev3A_314 = tpu.dynamic_gather %masked_sort3A_308[%rev3A_313] in [0] : vector<16xf32>, vector<16xi32> -> vector<16xf32>
      %rev3A_315 = arith.constant 15 : i32
      %rev3A_316 = vector.broadcast %rev3A_315 : i32 to vector<16xi32>
      %rev3A_317 = tpu.iota {dimensions = array<i32: 0>} : vector<16xi32>
      %rev3A_318 = arith.subi %rev3A_316, %rev3A_317 : vector<16xi32>
      %rev3A_319 = tpu.dynamic_gather %masked_sort3A_309[%rev3A_318] in [0] : vector<16xi32>, vector<16xi32> -> vector<16xi32>
      %ge3A_320 = arith.cmpf oge, %masked_sort3A_297, %rev3A_314 : vector<16xf32>
      %select_n3A_321 = arith.select %ge3A_320, %masked_sort3A_297, %rev3A_314 : vector<16xi1>, vector<16xf32>
      %select_n3A_322 = arith.select %ge3A_320, %masked_sort3A_298, %rev3A_319 : vector<16xi1>, vector<16xi32>
      %select_n3A_323 = arith.select %ge3A_320, %rev3A_314, %masked_sort3A_297 : vector<16xi1>, vector<16xf32>
      %select_n3A_324 = arith.select %ge3A_320, %rev3A_319, %masked_sort3A_298 : vector<16xi1>, vector<16xi32>
      %masked_sort3A_325 = arith.constant dense<true> : vector<16xi1>
      %masked_sort3A_326, %masked_sort3A_327, %masked_sort3A_328 = tpu.sort %select_n3A_321, %select_n3A_322 masked %masked_sort3A_325 {descending = true} : (vector<16xf32>, vector<16xi32>, vector<16xi1>) -> (vector<16xi1>, vector<16xf32>, vector<16xi32>)
      %masked_sort3A_329 = arith.constant dense<true> : vector<16xi1>
      %masked_sort3A_330, %masked_sort3A_331, %masked_sort3A_332 = tpu.sort %select_n3A_323, %select_n3A_324 masked %masked_sort3A_329 {descending = true} : (vector<16xf32>, vector<16xi32>, vector<16xi1>) -> (vector<16xi1>, vector<16xf32>, vector<16xi32>)
      %slice3A_333 = vector.extract_strided_slice %masked_sort3A_331 {offsets = [15], sizes = [1], strides = [1]} : vector<16xf32> to vector<1xf32>
      %squeeze3A_334 = vector.extract %slice3A_333[0] : f32 from vector<1xf32>
      %scan3A_335 = arith.constant 2 : i32
      %scan3A_336 = arith.constant 62 : i32
      %scan3A_337 = arith.addi %scan3A_335, %scan3A_336 : i32
      %scan3A_338 = arith.constant 1 : i32
      %scan3A_339:5 = scf.for %scan3A_341 = %scan3A_335 to %scan3A_337 step %scan3A_338 iter_args(%scan3A_342 = %masked_sort3A_327, %scan3A_343 = %masked_sort3A_328, %scan3A_344 = %masked_sort3A_331, %scan3A_345 = %masked_sort3A_332, %scan3A_346 = %squeeze3A_334) -> (vector<16xf32>, vector<16xi32>, vector<16xf32>, vector<16xi32>, f32)  : i32 {
        %mul3A_347 = arith.constant 16 : i32
        %mul3A_348 = arith.muli %scan3A_341, %mul3A_347 : i32
        %multiple_of3A_349 = tpu.assume_multiple %mul3A_348, 16 : i32
        %get3A_350 = arith.index_cast %multiple_of3A_349 : i32 to index
        %get3A_351 = tpu.vector_load %arg5[%get3A_350] {strides = array<i32>} : memref<1024xf32, #tpu.memory_space<vmem>>, vector<16xf32>,
        %reduce_max3A = arith.constant true
        %reduce_max3A_352 = vector.broadcast %reduce_max3A : i1 to vector<16xi1>
        %reduce_max3A_353 = tpu.scan <max>, %get3A_351 masked %reduce_max3A_352 : vector<16xf32>, vector<16xi1> -> vector<16xf32>
        %reduce_max3A_354 = vector.extract %reduce_max3A_353[15] : f32 from vector<16xf32>
        %gt3A = arith.cmpf ogt, %reduce_max3A_354, %scan3A_346 : f32
        %convert_element_type3A_355 = arith.extui %gt3A : i1 to i32
        %cond3A_356 = arith.constant 0 : i32
        %cond3A_357 = arith.constant 0 : i32
        %cond3A_358 = arith.cmpi ne, %convert_element_type3A_355, %cond3A_357 : i32
        %cond3A_359:5 = scf.if %cond3A_358 -> (vector<16xf32>, vector<16xi32>, vector<16xf32>, vector<16xi32>, f32) {
          %mul3A_360 = arith.constant 16 : i32
          %mul3A_361 = arith.muli %scan3A_341, %mul3A_360 : i32
          %add3A_362 = vector.broadcast %mul3A_361 : i32 to vector<16xi32>
          %add3A_363 = arith.addi %iota3A, %add3A_362 : vector<16xi32>
          %masked_sort3A_364 = arith.constant dense<true> : vector<16xi1>
          %masked_sort3A_365, %masked_sort3A_366, %masked_sort3A_367 = tpu.sort %get3A_351, %add3A_363 masked %masked_sort3A_364 {descending = true} : (vector<16xf32>, vector<16xi32>, vector<16xi1>) -> (vector<16xi1>, vector<16xf32>, vector<16xi32>)
          %rev3A_368 = arith.constant 15 : i32
          %rev3A_369 = vector.broadcast %rev3A_368 : i32 to vector<16xi32>
          %rev3A_370 = tpu.iota {dimensions = array<i32: 0>} : vector<16xi32>
          %rev3A_371 = arith.subi %rev3A_369, %rev3A_370 : vector<16xi32>
          %rev3A_372 = tpu.dynamic_gather %masked_sort3A_366[%rev3A_371] in [0] : vector<16xf32>, vector<16xi32> -> vector<16xf32>
          %rev3A_373 = arith.constant 15 : i32
          %rev3A_374 = vector.broadcast %rev3A_373 : i32 to vector<16xi32>
          %rev3A_375 = tpu.iota {dimensions = array<i32: 0>} : vector<16xi32>
          %rev3A_376 = arith.subi %rev3A_374, %rev3A_375 : vector<16xi32>
          %rev3A_377 = tpu.dynamic_gather %masked_sort3A_367[%rev3A_376] in [0] : vector<16xi32>, vector<16xi32> -> vector<16xi32>
          %ge3A_378 = arith.cmpf oge, %scan3A_344, %rev3A_372 : vector<16xf32>
          %select_n3A_379 = arith.select %ge3A_378, %scan3A_344, %rev3A_372 : vector<16xi1>, vector<16xf32>
          %select_n3A_380 = arith.select %ge3A_378, %scan3A_345, %rev3A_377 : vector<16xi1>, vector<16xi32>
          %masked_sort3A_381 = arith.constant dense<true> : vector<16xi1>
          %masked_sort3A_382, %masked_sort3A_383, %masked_sort3A_384 = tpu.sort %select_n3A_379, %select_n3A_380 masked %masked_sort3A_381 {descending = true} : (vector<16xf32>, vector<16xi32>, vector<16xi1>) -> (vector<16xi1>, vector<16xf32>, vector<16xi32>)
          %rev3A_385 = arith.constant 15 : i32
          %rev3A_386 = vector.broadcast %rev3A_385 : i32 to vector<16xi32>
          %rev3A_387 = tpu.iota {dimensions = array<i32: 0>} : vector<16xi32>
          %rev3A_388 = arith.subi %rev3A_386, %rev3A_387 : vector<16xi32>
          %rev3A_389 = tpu.dynamic_gather %masked_sort3A_383[%rev3A_388] in [0] : vector<16xf32>, vector<16xi32> -> vector<16xf32>
          %rev3A_390 = arith.constant 15 : i32
          %rev3A_391 = vector.broadcast %rev3A_390 : i32 to vector<16xi32>
          %rev3A_392 = tpu.iota {dimensions = array<i32: 0>} : vector<16xi32>
          %rev3A_393 = arith.subi %rev3A_391, %rev3A_392 : vector<16xi32>
          %rev3A_394 = tpu.dynamic_gather %masked_sort3A_384[%rev3A_393] in [0] : vector<16xi32>, vector<16xi32> -> vector<16xi32>
          %ge3A_395 = arith.cmpf oge, %scan3A_342, %rev3A_389 : vector<16xf32>
          %select_n3A_396 = arith.select %ge3A_395, %scan3A_342, %rev3A_389 : vector<16xi1>, vector<16xf32>
          %select_n3A_397 = arith.select %ge3A_395, %scan3A_343, %rev3A_394 : vector<16xi1>, vector<16xi32>
          %select_n3A_398 = arith.select %ge3A_395, %rev3A_389, %scan3A_342 : vector<16xi1>, vector<16xf32>
          %select_n3A_399 = arith.select %ge3A_395, %rev3A_394, %scan3A_343 : vector<16xi1>, vector<16xi32>
          %masked_sort3A_400 = arith.constant dense<true> : vector<16xi1>
          %masked_sort3A_401, %masked_sort3A_402, %masked_sort3A_403 = tpu.sort %select_n3A_396, %select_n3A_397 masked %masked_sort3A_400 {descending = true} : (vector<16xf32>, vector<16xi32>, vector<16xi1>) -> (vector<16xi1>, vector<16xf32>, vector<16xi32>)
          %masked_sort3A_404 = arith.constant dense<true> : vector<16xi1>
          %masked_sort3A_405, %masked_sort3A_406, %masked_sort3A_407 = tpu.sort %select_n3A_398, %select_n3A_399 masked %masked_sort3A_404 {descending = true} : (vector<16xf32>, vector<16xi32>, vector<16xi1>) -> (vector<16xi1>, vector<16xf32>, vector<16xi32>)
          %slice3A_408 = vector.extract_strided_slice %masked_sort3A_406 {offsets = [15], sizes = [1], strides = [1]} : vector<16xf32> to vector<1xf32>
          %squeeze3A_409 = vector.extract %slice3A_408[0] : f32 from vector<1xf32>
          scf.yield %masked_sort3A_402, %masked_sort3A_403, %masked_sort3A_406, %masked_sort3A_407, %squeeze3A_409 : vector<16xf32>, vector<16xi32>, vector<16xf32>, vector<16xi32>, f32
        } else {
          scf.yield %scan3A_342, %scan3A_343, %scan3A_344, %scan3A_345, %scan3A_346 : vector<16xf32>, vector<16xi32>, vector<16xf32>, vector<16xi32>, f32
        }
        scf.yield %cond3A_359#0, %cond3A_359#1, %cond3A_359#2, %cond3A_359#3, %cond3A_359#4 : vector<16xf32>, vector<16xi32>, vector<16xf32>, vector<16xi32>, f32
      }
      %scan3A_340 = arith.constant 62 : i32
      scf.yield %scan3A_339#0, %scan3A_339#1, %scan3A_339#2, %scan3A_339#3 : vector<16xf32>, vector<16xi32>, vector<16xf32>, vector<16xi32>
    }
    %reduce_sum3A = arith.constant true
    %reduce_sum3A_59 = vector.broadcast %reduce_sum3A : i1 to vector<16xi1>
    %reduce_sum3A_60 = tpu.scan <sum>, %cond3A_58#0 masked %reduce_sum3A_59 : vector<16xf32>, vector<16xi1> -> vector<16xf32>
    %reduce_sum3A_61 = vector.extract %reduce_sum3A_60[15] : f32 from vector<16xf32>
    %reduce_sum3A_62 = arith.constant true
    %reduce_sum3A_63 = vector.broadcast %reduce_sum3A_62 : i1 to vector<16xi1>
    %reduce_sum3A_64 = tpu.scan <sum>, %cond3A_58#2 masked %reduce_sum3A_63 : vector<16xf32>, vector<16xi1> -> vector<16xf32>
    %reduce_sum3A_65 = vector.extract %reduce_sum3A_64[15] : f32 from vector<16xf32>
    %add3A = arith.addf %reduce_sum3A_61, %reduce_sum3A_65 : f32
    %broadcast_in_dim3A_66 = vector.broadcast %add3A : f32 to vector<16xf32>
    %broadcast_in_dim3A_67 = arith.constant 1.000000e+00 : f32
    %broadcast_in_dim3A_68 = vector.broadcast %broadcast_in_dim3A_67 : f32 to vector<16xf32>
    %div3A = arith.divf %broadcast_in_dim3A_68, %broadcast_in_dim3A_66 : vector<16xf32>
    %mul3A = arith.mulf %broadcast_in_dim3A_66, %div3A : vector<16xf32>
    %sub3A = arith.constant 2.000000e+00 : f32
    %sub3A_69 = vector.broadcast %sub3A : f32 to vector<16xf32>
    %sub3A_70 = arith.subf %sub3A_69, %mul3A : vector<16xf32>
    %mul3A_71 = arith.mulf %div3A, %sub3A_70 : vector<16xf32>
    %mul3A_72 = arith.mulf %cond3A_58#0, %mul3A_71 : vector<16xf32>
    %mul3A_73 = arith.mulf %cond3A_58#2, %mul3A_71 : vector<16xf32>
    %mul3A_74 = arith.constant 16 : i32
    %mul3A_75 = vector.broadcast %mul3A_74 : i32 to vector<16xi32>
    %mul3A_76 = arith.muli %cond3A_58#1, %mul3A_75 : vector<16xi32>
    %add3A_77 = vector.broadcast %arg1 : i32 to vector<16xi32>
    %add3A_78 = arith.addi %mul3A_76, %add3A_77 : vector<16xi32>
    %swap3A_79 = arith.constant 0 : index
    %swap3A_80 = tpu.vector_load %arg6[%swap3A_79] {strides = array<i32>} : memref<32xi32, #tpu.memory_space<vmem>>, vector<16xi32>,
    tpu.vector_store %arg6[%swap3A_79], %add3A_78 {strides = array<i32>} : memref<32xi32, #tpu.memory_space<vmem>>, vector<16xi32>,
    %mul3A_81 = arith.constant 16 : i32
    %mul3A_82 = vector.broadcast %mul3A_81 : i32 to vector<16xi32>
    %mul3A_83 = arith.muli %cond3A_58#3, %mul3A_82 : vector<16xi32>
    %add3A_84 = vector.broadcast %arg1 : i32 to vector<16xi32>
    %add3A_85 = arith.addi %mul3A_83, %add3A_84 : vector<16xi32>
    %swap3A_86 = arith.constant 16 : index
    %swap3A_87 = tpu.vector_load %arg6[%swap3A_86] {strides = array<i32>} : memref<32xi32, #tpu.memory_space<vmem>>, vector<16xi32>,
    tpu.vector_store %arg6[%swap3A_86], %add3A_85 {strides = array<i32>} : memref<32xi32, #tpu.memory_space<vmem>>, vector<16xi32>,
    %dma_start3A = arith.constant 0 : i32
    %dma_start3A_88 = arith.constant 0 : i32
    %dma_start3A_89 = tpu.memref_slice %arg3[%dma_start3A, %dma_start3A_88] : memref<16384x768xf32, #tpu.memory_space<hbm>> -> memref<16384x768xf32, #tpu.memory_space<hbm>>
    tpu.enqueue_indirect_dma source(%dma_start3A_89 : memref<16384x768xf32, #tpu.memory_space<hbm>>) target(%arg9 : memref<32x768xf32, #tpu.memory_space<vmem>>) offsets(%arg6 : memref<32xi32, #tpu.memory_space<vmem>>) semaphore(%arg11 : memref<!tpu.dma_semaphore, #tpu.memory_space<semaphore_mem>>)
    %dma_wait3A = arith.constant 0 : i32
    %dma_wait3A_90 = arith.constant 0 : i32
    %dma_wait3A_91 = tpu.memref_slice %arg3[%dma_wait3A, %dma_wait3A_90] : memref<16384x768xf32, #tpu.memory_space<hbm>> -> memref<16384x768xf32, #tpu.memory_space<hbm>>
    tpu.wait_indirect_dma semaphore(%arg11 : memref<!tpu.dma_semaphore, #tpu.memory_space<semaphore_mem>>) src(%dma_wait3A_91 : memref<16384x768xf32, #tpu.memory_space<hbm>>) dst(%arg9 : memref<32x768xf32, #tpu.memory_space<vmem>>)
    %broadcast_in_dim3A_92 = arith.constant 0.000000e+00 : f32
    %broadcast_in_dim3A_93 = vector.broadcast %broadcast_in_dim3A_92 : f32 to vector<16xf32>
    %broadcast_in_dim3A_94 = arith.constant 0.000000e+00 : f32
    %broadcast_in_dim3A_95 = vector.broadcast %broadcast_in_dim3A_94 : f32 to vector<16xf32>
    %broadcast_in_dim3A_96 = arith.constant 0.000000e+00 : f32
    %broadcast_in_dim3A_97 = vector.broadcast %broadcast_in_dim3A_96 : f32 to vector<16xf32>
    %broadcast_in_dim3A_98 = arith.constant 0.000000e+00 : f32
    %broadcast_in_dim3A_99 = vector.broadcast %broadcast_in_dim3A_98 : f32 to vector<16xf32>
    %broadcast_in_dim3A_100 = arith.constant 0.000000e+00 : f32
    %broadcast_in_dim3A_101 = vector.broadcast %broadcast_in_dim3A_100 : f32 to vector<16xf32>
    %broadcast_in_dim3A_102 = arith.constant 0.000000e+00 : f32
    %broadcast_in_dim3A_103 = vector.broadcast %broadcast_in_dim3A_102 : f32 to vector<16xf32>
    %broadcast_in_dim3A_104 = arith.constant 0.000000e+00 : f32
    %broadcast_in_dim3A_105 = vector.broadcast %broadcast_in_dim3A_104 : f32 to vector<16xf32>
    %broadcast_in_dim3A_106 = arith.constant 0.000000e+00 : f32
    %broadcast_in_dim3A_107 = vector.broadcast %broadcast_in_dim3A_106 : f32 to vector<16xf32>
    %broadcast_in_dim3A_108 = arith.constant 0.000000e+00 : f32
    %broadcast_in_dim3A_109 = vector.broadcast %broadcast_in_dim3A_108 : f32 to vector<16xf32>
    %broadcast_in_dim3A_110 = arith.constant 0.000000e+00 : f32
    %broadcast_in_dim3A_111 = vector.broadcast %broadcast_in_dim3A_110 : f32 to vector<16xf32>
    %broadcast_in_dim3A_112 = arith.constant 0.000000e+00 : f32
    %broadcast_in_dim3A_113 = vector.broadcast %broadcast_in_dim3A_112 : f32 to vector<16xf32>
    %broadcast_in_dim3A_114 = arith.constant 0.000000e+00 : f32
    %broadcast_in_dim3A_115 = vector.broadcast %broadcast_in_dim3A_114 : f32 to vector<16xf32>
    %broadcast_in_dim3A_116 = arith.constant 0.000000e+00 : f32
    %broadcast_in_dim3A_117 = vector.broadcast %broadcast_in_dim3A_116 : f32 to vector<16xf32>
    %broadcast_in_dim3A_118 = arith.constant 0.000000e+00 : f32
    %broadcast_in_dim3A_119 = vector.broadcast %broadcast_in_dim3A_118 : f32 to vector<16xf32>
    %broadcast_in_dim3A_120 = arith.constant 0.000000e+00 : f32
    %broadcast_in_dim3A_121 = vector.broadcast %broadcast_in_dim3A_120 : f32 to vector<16xf32>
    %broadcast_in_dim3A_122 = arith.constant 0.000000e+00 : f32
    %broadcast_in_dim3A_123 = vector.broadcast %broadcast_in_dim3A_122 : f32 to vector<16xf32>
    %broadcast_in_dim3A_124 = arith.constant 0.000000e+00 : f32
    %broadcast_in_dim3A_125 = vector.broadcast %broadcast_in_dim3A_124 : f32 to vector<16xf32>
    %broadcast_in_dim3A_126 = arith.constant 0.000000e+00 : f32
    %broadcast_in_dim3A_127 = vector.broadcast %broadcast_in_dim3A_126 : f32 to vector<16xf32>
    %broadcast_in_dim3A_128 = arith.constant 0.000000e+00 : f32
    %broadcast_in_dim3A_129 = vector.broadcast %broadcast_in_dim3A_128 : f32 to vector<16xf32>
    %broadcast_in_dim3A_130 = arith.constant 0.000000e+00 : f32
    %broadcast_in_dim3A_131 = vector.broadcast %broadcast_in_dim3A_130 : f32 to vector<16xf32>
    %broadcast_in_dim3A_132 = arith.constant 0.000000e+00 : f32
    %broadcast_in_dim3A_133 = vector.broadcast %broadcast_in_dim3A_132 : f32 to vector<16xf32>
    %broadcast_in_dim3A_134 = arith.constant 0.000000e+00 : f32
    %broadcast_in_dim3A_135 = vector.broadcast %broadcast_in_dim3A_134 : f32 to vector<16xf32>
    %broadcast_in_dim3A_136 = arith.constant 0.000000e+00 : f32
    %broadcast_in_dim3A_137 = vector.broadcast %broadcast_in_dim3A_136 : f32 to vector<16xf32>
    %broadcast_in_dim3A_138 = arith.constant 0.000000e+00 : f32
    %broadcast_in_dim3A_139 = vector.broadcast %broadcast_in_dim3A_138 : f32 to vector<16xf32>
    %broadcast_in_dim3A_140 = arith.constant 0.000000e+00 : f32
    %broadcast_in_dim3A_141 = vector.broadcast %broadcast_in_dim3A_140 : f32 to vector<16xf32>
    %broadcast_in_dim3A_142 = arith.constant 0.000000e+00 : f32
    %broadcast_in_dim3A_143 = vector.broadcast %broadcast_in_dim3A_142 : f32 to vector<16xf32>
    %broadcast_in_dim3A_144 = arith.constant 0.000000e+00 : f32
    %broadcast_in_dim3A_145 = vector.broadcast %broadcast_in_dim3A_144 : f32 to vector<16xf32>
    %broadcast_in_dim3A_146 = arith.constant 0.000000e+00 : f32
    %broadcast_in_dim3A_147 = vector.broadcast %broadcast_in_dim3A_146 : f32 to vector<16xf32>
    %broadcast_in_dim3A_148 = arith.constant 0.000000e+00 : f32
    %broadcast_in_dim3A_149 = vector.broadcast %broadcast_in_dim3A_148 : f32 to vector<16xf32>
    %broadcast_in_dim3A_150 = arith.constant 0.000000e+00 : f32
    %broadcast_in_dim3A_151 = vector.broadcast %broadcast_in_dim3A_150 : f32 to vector<16xf32>
    %broadcast_in_dim3A_152 = arith.constant 0.000000e+00 : f32
    %broadcast_in_dim3A_153 = vector.broadcast %broadcast_in_dim3A_152 : f32 to vector<16xf32>
    %broadcast_in_dim3A_154 = arith.constant 0.000000e+00 : f32
    %broadcast_in_dim3A_155 = vector.broadcast %broadcast_in_dim3A_154 : f32 to vector<16xf32>
    %broadcast_in_dim3A_156 = arith.constant 0.000000e+00 : f32
    %broadcast_in_dim3A_157 = vector.broadcast %broadcast_in_dim3A_156 : f32 to vector<16xf32>
    %broadcast_in_dim3A_158 = arith.constant 0.000000e+00 : f32
    %broadcast_in_dim3A_159 = vector.broadcast %broadcast_in_dim3A_158 : f32 to vector<16xf32>
    %broadcast_in_dim3A_160 = arith.constant 0.000000e+00 : f32
    %broadcast_in_dim3A_161 = vector.broadcast %broadcast_in_dim3A_160 : f32 to vector<16xf32>
    %broadcast_in_dim3A_162 = arith.constant 0.000000e+00 : f32
    %broadcast_in_dim3A_163 = vector.broadcast %broadcast_in_dim3A_162 : f32 to vector<16xf32>
    %broadcast_in_dim3A_164 = arith.constant 0.000000e+00 : f32
    %broadcast_in_dim3A_165 = vector.broadcast %broadcast_in_dim3A_164 : f32 to vector<16xf32>
    %broadcast_in_dim3A_166 = arith.constant 0.000000e+00 : f32
    %broadcast_in_dim3A_167 = vector.broadcast %broadcast_in_dim3A_166 : f32 to vector<16xf32>
    %broadcast_in_dim3A_168 = arith.constant 0.000000e+00 : f32
    %broadcast_in_dim3A_169 = vector.broadcast %broadcast_in_dim3A_168 : f32 to vector<16xf32>
    %broadcast_in_dim3A_170 = arith.constant 0.000000e+00 : f32
    %broadcast_in_dim3A_171 = vector.broadcast %broadcast_in_dim3A_170 : f32 to vector<16xf32>
    %broadcast_in_dim3A_172 = arith.constant 0.000000e+00 : f32
    %broadcast_in_dim3A_173 = vector.broadcast %broadcast_in_dim3A_172 : f32 to vector<16xf32>
    %broadcast_in_dim3A_174 = arith.constant 0.000000e+00 : f32
    %broadcast_in_dim3A_175 = vector.broadcast %broadcast_in_dim3A_174 : f32 to vector<16xf32>
    %broadcast_in_dim3A_176 = arith.constant 0.000000e+00 : f32
    %broadcast_in_dim3A_177 = vector.broadcast %broadcast_in_dim3A_176 : f32 to vector<16xf32>
    %broadcast_in_dim3A_178 = arith.constant 0.000000e+00 : f32
    %broadcast_in_dim3A_179 = vector.broadcast %broadcast_in_dim3A_178 : f32 to vector<16xf32>
    %broadcast_in_dim3A_180 = arith.constant 0.000000e+00 : f32
    %broadcast_in_dim3A_181 = vector.broadcast %broadcast_in_dim3A_180 : f32 to vector<16xf32>
    %broadcast_in_dim3A_182 = arith.constant 0.000000e+00 : f32
    %broadcast_in_dim3A_183 = vector.broadcast %broadcast_in_dim3A_182 : f32 to vector<16xf32>
    %broadcast_in_dim3A_184 = arith.constant 0.000000e+00 : f32
    %broadcast_in_dim3A_185 = vector.broadcast %broadcast_in_dim3A_184 : f32 to vector<16xf32>
    %broadcast_in_dim3A_186 = arith.constant 0.000000e+00 : f32
    %broadcast_in_dim3A_187 = vector.broadcast %broadcast_in_dim3A_186 : f32 to vector<16xf32>
    %scan3A_188 = arith.constant 0 : i32
    %scan3A_189 = arith.constant 32 : i32
    %scan3A_190 = arith.addi %scan3A_188, %scan3A_189 : i32
    %scan3A_191 = arith.constant 1 : i32
    %scan3A_192:48 = scf.for %scan3A_290 = %scan3A_188 to %scan3A_190 step %scan3A_191 iter_args(%scan3A_291 = %broadcast_in_dim3A_93, %scan3A_292 = %broadcast_in_dim3A_95, %scan3A_293 = %broadcast_in_dim3A_97, %scan3A_294 = %broadcast_in_dim3A_99, %scan3A_295 = %broadcast_in_dim3A_101, %scan3A_296 = %broadcast_in_dim3A_103, %scan3A_297 = %broadcast_in_dim3A_105, %scan3A_298 = %broadcast_in_dim3A_107, %scan3A_299 = %broadcast_in_dim3A_109, %scan3A_300 = %broadcast_in_dim3A_111, %scan3A_301 = %broadcast_in_dim3A_113, %scan3A_302 = %broadcast_in_dim3A_115, %scan3A_303 = %broadcast_in_dim3A_117, %scan3A_304 = %broadcast_in_dim3A_119, %scan3A_305 = %broadcast_in_dim3A_121, %scan3A_306 = %broadcast_in_dim3A_123, %scan3A_307 = %broadcast_in_dim3A_125, %scan3A_308 = %broadcast_in_dim3A_127, %scan3A_309 = %broadcast_in_dim3A_129, %scan3A_310 = %broadcast_in_dim3A_131, %scan3A_311 = %broadcast_in_dim3A_133, %scan3A_312 = %broadcast_in_dim3A_135, %scan3A_313 = %broadcast_in_dim3A_137, %scan3A_314 = %broadcast_in_dim3A_139, %scan3A_315 = %broadcast_in_dim3A_141, %scan3A_316 = %broadcast_in_dim3A_143, %scan3A_317 = %broadcast_in_dim3A_145, %scan3A_318 = %broadcast_in_dim3A_147, %scan3A_319 = %broadcast_in_dim3A_149, %scan3A_320 = %broadcast_in_dim3A_151, %scan3A_321 = %broadcast_in_dim3A_153, %scan3A_322 = %broadcast_in_dim3A_155, %scan3A_323 = %broadcast_in_dim3A_157, %scan3A_324 = %broadcast_in_dim3A_159, %scan3A_325 = %broadcast_in_dim3A_161, %scan3A_326 = %broadcast_in_dim3A_163, %scan3A_327 = %broadcast_in_dim3A_165, %scan3A_328 = %broadcast_in_dim3A_167, %scan3A_329 = %broadcast_in_dim3A_169, %scan3A_330 = %broadcast_in_dim3A_171, %scan3A_331 = %broadcast_in_dim3A_173, %scan3A_332 = %broadcast_in_dim3A_175, %scan3A_333 = %broadcast_in_dim3A_177, %scan3A_334 = %broadcast_in_dim3A_179, %scan3A_335 = %broadcast_in_dim3A_181, %scan3A_336 = %broadcast_in_dim3A_183, %scan3A_337 = %broadcast_in_dim3A_185, %scan3A_338 = %broadcast_in_dim3A_187) -> (vector<16xf32>, vector<16xf32>, vector<16xf32>, vector<16xf32>, vector<16xf32>, vector<16xf32>, vector<16xf32>, vector<16xf32>, vector<16xf32>, vector<16xf32>, vector<16xf32>, vector<16xf32>, vector<16xf32>, vector<16xf32>, vector<16xf32>, vector<16xf32>, vector<16xf32>, vector<16xf32>, vector<16xf32>, vector<16xf32>, vector<16xf32>, vector<16xf32>, vector<16xf32>, vector<16xf32>, vector<16xf32>, vector<16xf32>, vector<16xf32>, vector<16xf32>, vector<16xf32>, vector<16xf32>, vector<16xf32>, vector<16xf32>, vector<16xf32>, vector<16xf32>, vector<16xf32>, vector<16xf32>, vector<16xf32>, vector<16xf32>, vector<16xf32>, vector<16xf32>, vector<16xf32>, vector<16xf32>, vector<16xf32>, vector<16xf32>, vector<16xf32>, vector<16xf32>, vector<16xf32>, vector<16xf32>)  : i32 {
      %broadcast_in_dim3A_339 = vector.broadcast %scan3A_290 : i32 to vector<16xi32>
      %and3A = arith.constant 15 : i32
      %and3A_340 = vector.broadcast %and3A : i32 to vector<16xi32>
      %and3A_341 = arith.andi %broadcast_in_dim3A_339, %and3A_340 : vector<16xi32>
      %lt3A_342 = arith.constant 16 : i32
      %lt3A_343 = vector.broadcast %lt3A_342 : i32 to vector<16xi32>
      %lt3A_344 = arith.cmpi slt, %broadcast_in_dim3A_339, %lt3A_343 : vector<16xi32>
      %broadcast_in_dim3A_345 = vector.shape_cast %and3A_341 : vector<16xi32> to vector<16x1xi32>
      %gather3A = vector.shape_cast %broadcast_in_dim3A_345 : vector<16x1xi32> to vector<16xi32>
      %gather3A_346 = tpu.dynamic_gather %mul3A_72[%gather3A] in [0] : vector<16xf32>, vector<16xi32> -> vector<16xf32>
      %broadcast_in_dim3A_347 = vector.shape_cast %and3A_341 : vector<16xi32> to vector<16x1xi32>
      %gather3A_348 = vector.shape_cast %broadcast_in_dim3A_347 : vector<16x1xi32> to vector<16xi32>
      %gather3A_349 = tpu.dynamic_gather %mul3A_73[%gather3A_348] in [0] : vector<16xf32>, vector<16xi32> -> vector<16xf32>
      %select_n3A_350 = arith.select %lt3A_344, %gather3A_346, %gather3A_349 : vector<16xi1>, vector<16xf32>
      %get3A = arith.index_cast %scan3A_290 : i32 to index
      %get3A_351 = arith.constant 0 : index
      %get3A_352 = tpu.vector_load %arg9[%get3A, %get3A_351] {strides = array<i32>} : memref<32x768xf32, #tpu.memory_space<vmem>>, vector<16xf32>,
      %mul3A_353 = arith.mulf %get3A_352, %select_n3A_350 : vector<16xf32>
      %add3A_354 = arith.addf %scan3A_291, %mul3A_353 : vector<16xf32>
      %get3A_355 = arith.index_cast %scan3A_290 : i32 to index
      %get3A_356 = arith.constant 16 : index
      %get3A_357 = tpu.vector_load %arg9[%get3A_355, %get3A_356] {strides = array<i32>} : memref<32x768xf32, #tpu.memory_space<vmem>>, vector<16xf32>,
      %mul3A_358 = arith.mulf %get3A_357, %select_n3A_350 : vector<16xf32>
      %add3A_359 = arith.addf %scan3A_292, %mul3A_358 : vector<16xf32>
      %get3A_360 = arith.index_cast %scan3A_290 : i32 to index
      %get3A_361 = arith.constant 32 : index
      %get3A_362 = tpu.vector_load %arg9[%get3A_360, %get3A_361] {strides = array<i32>} : memref<32x768xf32, #tpu.memory_space<vmem>>, vector<16xf32>,
      %mul3A_363 = arith.mulf %get3A_362, %select_n3A_350 : vector<16xf32>
      %add3A_364 = arith.addf %scan3A_293, %mul3A_363 : vector<16xf32>
      %get3A_365 = arith.index_cast %scan3A_290 : i32 to index
      %get3A_366 = arith.constant 48 : index
      %get3A_367 = tpu.vector_load %arg9[%get3A_365, %get3A_366] {strides = array<i32>} : memref<32x768xf32, #tpu.memory_space<vmem>>, vector<16xf32>,
      %mul3A_368 = arith.mulf %get3A_367, %select_n3A_350 : vector<16xf32>
      %add3A_369 = arith.addf %scan3A_294, %mul3A_368 : vector<16xf32>
      %get3A_370 = arith.index_cast %scan3A_290 : i32 to index
      %get3A_371 = arith.constant 64 : index
      %get3A_372 = tpu.vector_load %arg9[%get3A_370, %get3A_371] {strides = array<i32>} : memref<32x768xf32, #tpu.memory_space<vmem>>, vector<16xf32>,
      %mul3A_373 = arith.mulf %get3A_372, %select_n3A_350 : vector<16xf32>
      %add3A_374 = arith.addf %scan3A_295, %mul3A_373 : vector<16xf32>
      %get3A_375 = arith.index_cast %scan3A_290 : i32 to index
      %get3A_376 = arith.constant 80 : index
      %get3A_377 = tpu.vector_load %arg9[%get3A_375, %get3A_376] {strides = array<i32>} : memref<32x768xf32, #tpu.memory_space<vmem>>, vector<16xf32>,
      %mul3A_378 = arith.mulf %get3A_377, %select_n3A_350 : vector<16xf32>
      %add3A_379 = arith.addf %scan3A_296, %mul3A_378 : vector<16xf32>
      %get3A_380 = arith.index_cast %scan3A_290 : i32 to index
      %get3A_381 = arith.constant 96 : index
      %get3A_382 = tpu.vector_load %arg9[%get3A_380, %get3A_381] {strides = array<i32>} : memref<32x768xf32, #tpu.memory_space<vmem>>, vector<16xf32>,
      %mul3A_383 = arith.mulf %get3A_382, %select_n3A_350 : vector<16xf32>
      %add3A_384 = arith.addf %scan3A_297, %mul3A_383 : vector<16xf32>
      %get3A_385 = arith.index_cast %scan3A_290 : i32 to index
      %get3A_386 = arith.constant 112 : index
      %get3A_387 = tpu.vector_load %arg9[%get3A_385, %get3A_386] {strides = array<i32>} : memref<32x768xf32, #tpu.memory_space<vmem>>, vector<16xf32>,
      %mul3A_388 = arith.mulf %get3A_387, %select_n3A_350 : vector<16xf32>
      %add3A_389 = arith.addf %scan3A_298, %mul3A_388 : vector<16xf32>
      %get3A_390 = arith.index_cast %scan3A_290 : i32 to index
      %get3A_391 = arith.constant 128 : index
      %get3A_392 = tpu.vector_load %arg9[%get3A_390, %get3A_391] {strides = array<i32>} : memref<32x768xf32, #tpu.memory_space<vmem>>, vector<16xf32>,
      %mul3A_393 = arith.mulf %get3A_392, %select_n3A_350 : vector<16xf32>
      %add3A_394 = arith.addf %scan3A_299, %mul3A_393 : vector<16xf32>
      %get3A_395 = arith.index_cast %scan3A_290 : i32 to index
      %get3A_396 = arith.constant 144 : index
      %get3A_397 = tpu.vector_load %arg9[%get3A_395, %get3A_396] {strides = array<i32>} : memref<32x768xf32, #tpu.memory_space<vmem>>, vector<16xf32>,
      %mul3A_398 = arith.mulf %get3A_397, %select_n3A_350 : vector<16xf32>
      %add3A_399 = arith.addf %scan3A_300, %mul3A_398 : vector<16xf32>
      %get3A_400 = arith.index_cast %scan3A_290 : i32 to index
      %get3A_401 = arith.constant 160 : index
      %get3A_402 = tpu.vector_load %arg9[%get3A_400, %get3A_401] {strides = array<i32>} : memref<32x768xf32, #tpu.memory_space<vmem>>, vector<16xf32>,
      %mul3A_403 = arith.mulf %get3A_402, %select_n3A_350 : vector<16xf32>
      %add3A_404 = arith.addf %scan3A_301, %mul3A_403 : vector<16xf32>
      %get3A_405 = arith.index_cast %scan3A_290 : i32 to index
      %get3A_406 = arith.constant 176 : index
      %get3A_407 = tpu.vector_load %arg9[%get3A_405, %get3A_406] {strides = array<i32>} : memref<32x768xf32, #tpu.memory_space<vmem>>, vector<16xf32>,
      %mul3A_408 = arith.mulf %get3A_407, %select_n3A_350 : vector<16xf32>
      %add3A_409 = arith.addf %scan3A_302, %mul3A_408 : vector<16xf32>
      %get3A_410 = arith.index_cast %scan3A_290 : i32 to index
      %get3A_411 = arith.constant 192 : index
      %get3A_412 = tpu.vector_load %arg9[%get3A_410, %get3A_411] {strides = array<i32>} : memref<32x768xf32, #tpu.memory_space<vmem>>, vector<16xf32>,
      %mul3A_413 = arith.mulf %get3A_412, %select_n3A_350 : vector<16xf32>
      %add3A_414 = arith.addf %scan3A_303, %mul3A_413 : vector<16xf32>
      %get3A_415 = arith.index_cast %scan3A_290 : i32 to index
      %get3A_416 = arith.constant 208 : index
      %get3A_417 = tpu.vector_load %arg9[%get3A_415, %get3A_416] {strides = array<i32>} : memref<32x768xf32, #tpu.memory_space<vmem>>, vector<16xf32>,
      %mul3A_418 = arith.mulf %get3A_417, %select_n3A_350 : vector<16xf32>
      %add3A_419 = arith.addf %scan3A_304, %mul3A_418 : vector<16xf32>
      %get3A_420 = arith.index_cast %scan3A_290 : i32 to index
      %get3A_421 = arith.constant 224 : index
      %get3A_422 = tpu.vector_load %arg9[%get3A_420, %get3A_421] {strides = array<i32>} : memref<32x768xf32, #tpu.memory_space<vmem>>, vector<16xf32>,
      %mul3A_423 = arith.mulf %get3A_422, %select_n3A_350 : vector<16xf32>
      %add3A_424 = arith.addf %scan3A_305, %mul3A_423 : vector<16xf32>
      %get3A_425 = arith.index_cast %scan3A_290 : i32 to index
      %get3A_426 = arith.constant 240 : index
      %get3A_427 = tpu.vector_load %arg9[%get3A_425, %get3A_426] {strides = array<i32>} : memref<32x768xf32, #tpu.memory_space<vmem>>, vector<16xf32>,
      %mul3A_428 = arith.mulf %get3A_427, %select_n3A_350 : vector<16xf32>
      %add3A_429 = arith.addf %scan3A_306, %mul3A_428 : vector<16xf32>
      %get3A_430 = arith.index_cast %scan3A_290 : i32 to index
      %get3A_431 = arith.constant 256 : index
      %get3A_432 = tpu.vector_load %arg9[%get3A_430, %get3A_431] {strides = array<i32>} : memref<32x768xf32, #tpu.memory_space<vmem>>, vector<16xf32>,
      %mul3A_433 = arith.mulf %get3A_432, %select_n3A_350 : vector<16xf32>
      %add3A_434 = arith.addf %scan3A_307, %mul3A_433 : vector<16xf32>
      %get3A_435 = arith.index_cast %scan3A_290 : i32 to index
      %get3A_436 = arith.constant 272 : index
      %get3A_437 = tpu.vector_load %arg9[%get3A_435, %get3A_436] {strides = array<i32>} : memref<32x768xf32, #tpu.memory_space<vmem>>, vector<16xf32>,
      %mul3A_438 = arith.mulf %get3A_437, %select_n3A_350 : vector<16xf32>
      %add3A_439 = arith.addf %scan3A_308, %mul3A_438 : vector<16xf32>
      %get3A_440 = arith.index_cast %scan3A_290 : i32 to index
      %get3A_441 = arith.constant 288 : index
      %get3A_442 = tpu.vector_load %arg9[%get3A_440, %get3A_441] {strides = array<i32>} : memref<32x768xf32, #tpu.memory_space<vmem>>, vector<16xf32>,
      %mul3A_443 = arith.mulf %get3A_442, %select_n3A_350 : vector<16xf32>
      %add3A_444 = arith.addf %scan3A_309, %mul3A_443 : vector<16xf32>
      %get3A_445 = arith.index_cast %scan3A_290 : i32 to index
      %get3A_446 = arith.constant 304 : index
      %get3A_447 = tpu.vector_load %arg9[%get3A_445, %get3A_446] {strides = array<i32>} : memref<32x768xf32, #tpu.memory_space<vmem>>, vector<16xf32>,
      %mul3A_448 = arith.mulf %get3A_447, %select_n3A_350 : vector<16xf32>
      %add3A_449 = arith.addf %scan3A_310, %mul3A_448 : vector<16xf32>
      %get3A_450 = arith.index_cast %scan3A_290 : i32 to index
      %get3A_451 = arith.constant 320 : index
      %get3A_452 = tpu.vector_load %arg9[%get3A_450, %get3A_451] {strides = array<i32>} : memref<32x768xf32, #tpu.memory_space<vmem>>, vector<16xf32>,
      %mul3A_453 = arith.mulf %get3A_452, %select_n3A_350 : vector<16xf32>
      %add3A_454 = arith.addf %scan3A_311, %mul3A_453 : vector<16xf32>
      %get3A_455 = arith.index_cast %scan3A_290 : i32 to index
      %get3A_456 = arith.constant 336 : index
      %get3A_457 = tpu.vector_load %arg9[%get3A_455, %get3A_456] {strides = array<i32>} : memref<32x768xf32, #tpu.memory_space<vmem>>, vector<16xf32>,
      %mul3A_458 = arith.mulf %get3A_457, %select_n3A_350 : vector<16xf32>
      %add3A_459 = arith.addf %scan3A_312, %mul3A_458 : vector<16xf32>
      %get3A_460 = arith.index_cast %scan3A_290 : i32 to index
      %get3A_461 = arith.constant 352 : index
      %get3A_462 = tpu.vector_load %arg9[%get3A_460, %get3A_461] {strides = array<i32>} : memref<32x768xf32, #tpu.memory_space<vmem>>, vector<16xf32>,
      %mul3A_463 = arith.mulf %get3A_462, %select_n3A_350 : vector<16xf32>
      %add3A_464 = arith.addf %scan3A_313, %mul3A_463 : vector<16xf32>
      %get3A_465 = arith.index_cast %scan3A_290 : i32 to index
      %get3A_466 = arith.constant 368 : index
      %get3A_467 = tpu.vector_load %arg9[%get3A_465, %get3A_466] {strides = array<i32>} : memref<32x768xf32, #tpu.memory_space<vmem>>, vector<16xf32>,
      %mul3A_468 = arith.mulf %get3A_467, %select_n3A_350 : vector<16xf32>
      %add3A_469 = arith.addf %scan3A_314, %mul3A_468 : vector<16xf32>
      %get3A_470 = arith.index_cast %scan3A_290 : i32 to index
      %get3A_471 = arith.constant 384 : index
      %get3A_472 = tpu.vector_load %arg9[%get3A_470, %get3A_471] {strides = array<i32>} : memref<32x768xf32, #tpu.memory_space<vmem>>, vector<16xf32>,
      %mul3A_473 = arith.mulf %get3A_472, %select_n3A_350 : vector<16xf32>
      %add3A_474 = arith.addf %scan3A_315, %mul3A_473 : vector<16xf32>
      %get3A_475 = arith.index_cast %scan3A_290 : i32 to index
      %get3A_476 = arith.constant 400 : index
      %get3A_477 = tpu.vector_load %arg9[%get3A_475, %get3A_476] {strides = array<i32>} : memref<32x768xf32, #tpu.memory_space<vmem>>, vector<16xf32>,
      %mul3A_478 = arith.mulf %get3A_477, %select_n3A_350 : vector<16xf32>
      %add3A_479 = arith.addf %scan3A_316, %mul3A_478 : vector<16xf32>
      %get3A_480 = arith.index_cast %scan3A_290 : i32 to index
      %get3A_481 = arith.constant 416 : index
      %get3A_482 = tpu.vector_load %arg9[%get3A_480, %get3A_481] {strides = array<i32>} : memref<32x768xf32, #tpu.memory_space<vmem>>, vector<16xf32>,
      %mul3A_483 = arith.mulf %get3A_482, %select_n3A_350 : vector<16xf32>
      %add3A_484 = arith.addf %scan3A_317, %mul3A_483 : vector<16xf32>
      %get3A_485 = arith.index_cast %scan3A_290 : i32 to index
      %get3A_486 = arith.constant 432 : index
      %get3A_487 = tpu.vector_load %arg9[%get3A_485, %get3A_486] {strides = array<i32>} : memref<32x768xf32, #tpu.memory_space<vmem>>, vector<16xf32>,
      %mul3A_488 = arith.mulf %get3A_487, %select_n3A_350 : vector<16xf32>
      %add3A_489 = arith.addf %scan3A_318, %mul3A_488 : vector<16xf32>
      %get3A_490 = arith.index_cast %scan3A_290 : i32 to index
      %get3A_491 = arith.constant 448 : index
      %get3A_492 = tpu.vector_load %arg9[%get3A_490, %get3A_491] {strides = array<i32>} : memref<32x768xf32, #tpu.memory_space<vmem>>, vector<16xf32>,
      %mul3A_493 = arith.mulf %get3A_492, %select_n3A_350 : vector<16xf32>
      %add3A_494 = arith.addf %scan3A_319, %mul3A_493 : vector<16xf32>
      %get3A_495 = arith.index_cast %scan3A_290 : i32 to index
      %get3A_496 = arith.constant 464 : index
      %get3A_497 = tpu.vector_load %arg9[%get3A_495, %get3A_496] {strides = array<i32>} : memref<32x768xf32, #tpu.memory_space<vmem>>, vector<16xf32>,
      %mul3A_498 = arith.mulf %get3A_497, %select_n3A_350 : vector<16xf32>
      %add3A_499 = arith.addf %scan3A_320, %mul3A_498 : vector<16xf32>
      %get3A_500 = arith.index_cast %scan3A_290 : i32 to index
      %get3A_501 = arith.constant 480 : index
      %get3A_502 = tpu.vector_load %arg9[%get3A_500, %get3A_501] {strides = array<i32>} : memref<32x768xf32, #tpu.memory_space<vmem>>, vector<16xf32>,
      %mul3A_503 = arith.mulf %get3A_502, %select_n3A_350 : vector<16xf32>
      %add3A_504 = arith.addf %scan3A_321, %mul3A_503 : vector<16xf32>
      %get3A_505 = arith.index_cast %scan3A_290 : i32 to index
      %get3A_506 = arith.constant 496 : index
      %get3A_507 = tpu.vector_load %arg9[%get3A_505, %get3A_506] {strides = array<i32>} : memref<32x768xf32, #tpu.memory_space<vmem>>, vector<16xf32>,
      %mul3A_508 = arith.mulf %get3A_507, %select_n3A_350 : vector<16xf32>
      %add3A_509 = arith.addf %scan3A_322, %mul3A_508 : vector<16xf32>
      %get3A_510 = arith.index_cast %scan3A_290 : i32 to index
      %get3A_511 = arith.constant 512 : index
      %get3A_512 = tpu.vector_load %arg9[%get3A_510, %get3A_511] {strides = array<i32>} : memref<32x768xf32, #tpu.memory_space<vmem>>, vector<16xf32>,
      %mul3A_513 = arith.mulf %get3A_512, %select_n3A_350 : vector<16xf32>
      %add3A_514 = arith.addf %scan3A_323, %mul3A_513 : vector<16xf32>
      %get3A_515 = arith.index_cast %scan3A_290 : i32 to index
      %get3A_516 = arith.constant 528 : index
      %get3A_517 = tpu.vector_load %arg9[%get3A_515, %get3A_516] {strides = array<i32>} : memref<32x768xf32, #tpu.memory_space<vmem>>, vector<16xf32>,
      %mul3A_518 = arith.mulf %get3A_517, %select_n3A_350 : vector<16xf32>
      %add3A_519 = arith.addf %scan3A_324, %mul3A_518 : vector<16xf32>
      %get3A_520 = arith.index_cast %scan3A_290 : i32 to index
      %get3A_521 = arith.constant 544 : index
      %get3A_522 = tpu.vector_load %arg9[%get3A_520, %get3A_521] {strides = array<i32>} : memref<32x768xf32, #tpu.memory_space<vmem>>, vector<16xf32>,
      %mul3A_523 = arith.mulf %get3A_522, %select_n3A_350 : vector<16xf32>
      %add3A_524 = arith.addf %scan3A_325, %mul3A_523 : vector<16xf32>
      %get3A_525 = arith.index_cast %scan3A_290 : i32 to index
      %get3A_526 = arith.constant 560 : index
      %get3A_527 = tpu.vector_load %arg9[%get3A_525, %get3A_526] {strides = array<i32>} : memref<32x768xf32, #tpu.memory_space<vmem>>, vector<16xf32>,
      %mul3A_528 = arith.mulf %get3A_527, %select_n3A_350 : vector<16xf32>
      %add3A_529 = arith.addf %scan3A_326, %mul3A_528 : vector<16xf32>
      %get3A_530 = arith.index_cast %scan3A_290 : i32 to index
      %get3A_531 = arith.constant 576 : index
      %get3A_532 = tpu.vector_load %arg9[%get3A_530, %get3A_531] {strides = array<i32>} : memref<32x768xf32, #tpu.memory_space<vmem>>, vector<16xf32>,
      %mul3A_533 = arith.mulf %get3A_532, %select_n3A_350 : vector<16xf32>
      %add3A_534 = arith.addf %scan3A_327, %mul3A_533 : vector<16xf32>
      %get3A_535 = arith.index_cast %scan3A_290 : i32 to index
      %get3A_536 = arith.constant 592 : index
      %get3A_537 = tpu.vector_load %arg9[%get3A_535, %get3A_536] {strides = array<i32>} : memref<32x768xf32, #tpu.memory_space<vmem>>, vector<16xf32>,
      %mul3A_538 = arith.mulf %get3A_537, %select_n3A_350 : vector<16xf32>
      %add3A_539 = arith.addf %scan3A_328, %mul3A_538 : vector<16xf32>
      %get3A_540 = arith.index_cast %scan3A_290 : i32 to index
      %get3A_541 = arith.constant 608 : index
      %get3A_542 = tpu.vector_load %arg9[%get3A_540, %get3A_541] {strides = array<i32>} : memref<32x768xf32, #tpu.memory_space<vmem>>, vector<16xf32>,
      %mul3A_543 = arith.mulf %get3A_542, %select_n3A_350 : vector<16xf32>
      %add3A_544 = arith.addf %scan3A_329, %mul3A_543 : vector<16xf32>
      %get3A_545 = arith.index_cast %scan3A_290 : i32 to index
      %get3A_546 = arith.constant 624 : index
      %get3A_547 = tpu.vector_load %arg9[%get3A_545, %get3A_546] {strides = array<i32>} : memref<32x768xf32, #tpu.memory_space<vmem>>, vector<16xf32>,
      %mul3A_548 = arith.mulf %get3A_547, %select_n3A_350 : vector<16xf32>
      %add3A_549 = arith.addf %scan3A_330, %mul3A_548 : vector<16xf32>
      %get3A_550 = arith.index_cast %scan3A_290 : i32 to index
      %get3A_551 = arith.constant 640 : index
      %get3A_552 = tpu.vector_load %arg9[%get3A_550, %get3A_551] {strides = array<i32>} : memref<32x768xf32, #tpu.memory_space<vmem>>, vector<16xf32>,
      %mul3A_553 = arith.mulf %get3A_552, %select_n3A_350 : vector<16xf32>
      %add3A_554 = arith.addf %scan3A_331, %mul3A_553 : vector<16xf32>
      %get3A_555 = arith.index_cast %scan3A_290 : i32 to index
      %get3A_556 = arith.constant 656 : index
      %get3A_557 = tpu.vector_load %arg9[%get3A_555, %get3A_556] {strides = array<i32>} : memref<32x768xf32, #tpu.memory_space<vmem>>, vector<16xf32>,
      %mul3A_558 = arith.mulf %get3A_557, %select_n3A_350 : vector<16xf32>
      %add3A_559 = arith.addf %scan3A_332, %mul3A_558 : vector<16xf32>
      %get3A_560 = arith.index_cast %scan3A_290 : i32 to index
      %get3A_561 = arith.constant 672 : index
      %get3A_562 = tpu.vector_load %arg9[%get3A_560, %get3A_561] {strides = array<i32>} : memref<32x768xf32, #tpu.memory_space<vmem>>, vector<16xf32>,
      %mul3A_563 = arith.mulf %get3A_562, %select_n3A_350 : vector<16xf32>
      %add3A_564 = arith.addf %scan3A_333, %mul3A_563 : vector<16xf32>
      %get3A_565 = arith.index_cast %scan3A_290 : i32 to index
      %get3A_566 = arith.constant 688 : index
      %get3A_567 = tpu.vector_load %arg9[%get3A_565, %get3A_566] {strides = array<i32>} : memref<32x768xf32, #tpu.memory_space<vmem>>, vector<16xf32>,
      %mul3A_568 = arith.mulf %get3A_567, %select_n3A_350 : vector<16xf32>
      %add3A_569 = arith.addf %scan3A_334, %mul3A_568 : vector<16xf32>
      %get3A_570 = arith.index_cast %scan3A_290 : i32 to index
      %get3A_571 = arith.constant 704 : index
      %get3A_572 = tpu.vector_load %arg9[%get3A_570, %get3A_571] {strides = array<i32>} : memref<32x768xf32, #tpu.memory_space<vmem>>, vector<16xf32>,
      %mul3A_573 = arith.mulf %get3A_572, %select_n3A_350 : vector<16xf32>
      %add3A_574 = arith.addf %scan3A_335, %mul3A_573 : vector<16xf32>
      %get3A_575 = arith.index_cast %scan3A_290 : i32 to index
      %get3A_576 = arith.constant 720 : index
      %get3A_577 = tpu.vector_load %arg9[%get3A_575, %get3A_576] {strides = array<i32>} : memref<32x768xf32, #tpu.memory_space<vmem>>, vector<16xf32>,
      %mul3A_578 = arith.mulf %get3A_577, %select_n3A_350 : vector<16xf32>
      %add3A_579 = arith.addf %scan3A_336, %mul3A_578 : vector<16xf32>
      %get3A_580 = arith.index_cast %scan3A_290 : i32 to index
      %get3A_581 = arith.constant 736 : index
      %get3A_582 = tpu.vector_load %arg9[%get3A_580, %get3A_581] {strides = array<i32>} : memref<32x768xf32, #tpu.memory_space<vmem>>, vector<16xf32>,
      %mul3A_583 = arith.mulf %get3A_582, %select_n3A_350 : vector<16xf32>
      %add3A_584 = arith.addf %scan3A_337, %mul3A_583 : vector<16xf32>
      %get3A_585 = arith.index_cast %scan3A_290 : i32 to index
      %get3A_586 = arith.constant 752 : index
      %get3A_587 = tpu.vector_load %arg9[%get3A_585, %get3A_586] {strides = array<i32>} : memref<32x768xf32, #tpu.memory_space<vmem>>, vector<16xf32>,
      %mul3A_588 = arith.mulf %get3A_587, %select_n3A_350 : vector<16xf32>
      %add3A_589 = arith.addf %scan3A_338, %mul3A_588 : vector<16xf32>
      scf.yield %add3A_354, %add3A_359, %add3A_364, %add3A_369, %add3A_374, %add3A_379, %add3A_384, %add3A_389, %add3A_394, %add3A_399, %add3A_404, %add3A_409, %add3A_414, %add3A_419, %add3A_424, %add3A_429, %add3A_434, %add3A_439, %add3A_444, %add3A_449, %add3A_454, %add3A_459, %add3A_464, %add3A_469, %add3A_474, %add3A_479, %add3A_484, %add3A_489, %add3A_494, %add3A_499, %add3A_504, %add3A_509, %add3A_514, %add3A_519, %add3A_524, %add3A_529, %add3A_534, %add3A_539, %add3A_544, %add3A_549, %add3A_554, %add3A_559, %add3A_564, %add3A_569, %add3A_574, %add3A_579, %add3A_584, %add3A_589 : vector<16xf32>, vector<16xf32>, vector<16xf32>, vector<16xf32>, vector<16xf32>, vector<16xf32>, vector<16xf32>, vector<16xf32>, vector<16xf32>, vector<16xf32>, vector<16xf32>, vector<16xf32>, vector<16xf32>, vector<16xf32>, vector<16xf32>, vector<16xf32>, vector<16xf32>, vector<16xf32>, vector<16xf32>, vector<16xf32>, vector<16xf32>, vector<16xf32>, vector<16xf32>, vector<16xf32>, vector<16xf32>, vector<16xf32>, vector<16xf32>, vector<16xf32>, vector<16xf32>, vector<16xf32>, vector<16xf32>, vector<16xf32>, vector<16xf32>, vector<16xf32>, vector<16xf32>, vector<16xf32>, vector<16xf32>, vector<16xf32>, vector<16xf32>, vector<16xf32>, vector<16xf32>, vector<16xf32>, vector<16xf32>, vector<16xf32>, vector<16xf32>, vector<16xf32>, vector<16xf32>, vector<16xf32>
    }
    %scan3A_193 = arith.constant 32 : i32
    %swap3A_194 = arith.constant 0 : index
    %swap3A_195 = tpu.vector_load %arg10[%swap3A_194] {strides = array<i32>} : memref<768xf32, #tpu.memory_space<vmem>>, vector<16xf32>,
    tpu.vector_store %arg10[%swap3A_194], %scan3A_192#0 {strides = array<i32>} : memref<768xf32, #tpu.memory_space<vmem>>, vector<16xf32>,
    %swap3A_196 = arith.constant 16 : index
    %swap3A_197 = tpu.vector_load %arg10[%swap3A_196] {strides = array<i32>} : memref<768xf32, #tpu.memory_space<vmem>>, vector<16xf32>,
    tpu.vector_store %arg10[%swap3A_196], %scan3A_192#1 {strides = array<i32>} : memref<768xf32, #tpu.memory_space<vmem>>, vector<16xf32>,
    %swap3A_198 = arith.constant 32 : index
    %swap3A_199 = tpu.vector_load %arg10[%swap3A_198] {strides = array<i32>} : memref<768xf32, #tpu.memory_space<vmem>>, vector<16xf32>,
    tpu.vector_store %arg10[%swap3A_198], %scan3A_192#2 {strides = array<i32>} : memref<768xf32, #tpu.memory_space<vmem>>, vector<16xf32>,
    %swap3A_200 = arith.constant 48 : index
    %swap3A_201 = tpu.vector_load %arg10[%swap3A_200] {strides = array<i32>} : memref<768xf32, #tpu.memory_space<vmem>>, vector<16xf32>,
    tpu.vector_store %arg10[%swap3A_200], %scan3A_192#3 {strides = array<i32>} : memref<768xf32, #tpu.memory_space<vmem>>, vector<16xf32>,
    %swap3A_202 = arith.constant 64 : index
    %swap3A_203 = tpu.vector_load %arg10[%swap3A_202] {strides = array<i32>} : memref<768xf32, #tpu.memory_space<vmem>>, vector<16xf32>,
    tpu.vector_store %arg10[%swap3A_202], %scan3A_192#4 {strides = array<i32>} : memref<768xf32, #tpu.memory_space<vmem>>, vector<16xf32>,
    %swap3A_204 = arith.constant 80 : index
    %swap3A_205 = tpu.vector_load %arg10[%swap3A_204] {strides = array<i32>} : memref<768xf32, #tpu.memory_space<vmem>>, vector<16xf32>,
    tpu.vector_store %arg10[%swap3A_204], %scan3A_192#5 {strides = array<i32>} : memref<768xf32, #tpu.memory_space<vmem>>, vector<16xf32>,
    %swap3A_206 = arith.constant 96 : index
    %swap3A_207 = tpu.vector_load %arg10[%swap3A_206] {strides = array<i32>} : memref<768xf32, #tpu.memory_space<vmem>>, vector<16xf32>,
    tpu.vector_store %arg10[%swap3A_206], %scan3A_192#6 {strides = array<i32>} : memref<768xf32, #tpu.memory_space<vmem>>, vector<16xf32>,
    %swap3A_208 = arith.constant 112 : index
    %swap3A_209 = tpu.vector_load %arg10[%swap3A_208] {strides = array<i32>} : memref<768xf32, #tpu.memory_space<vmem>>, vector<16xf32>,
    tpu.vector_store %arg10[%swap3A_208], %scan3A_192#7 {strides = array<i32>} : memref<768xf32, #tpu.memory_space<vmem>>, vector<16xf32>,
    %swap3A_210 = arith.constant 128 : index
    %swap3A_211 = tpu.vector_load %arg10[%swap3A_210] {strides = array<i32>} : memref<768xf32, #tpu.memory_space<vmem>>, vector<16xf32>,
    tpu.vector_store %arg10[%swap3A_210], %scan3A_192#8 {strides = array<i32>} : memref<768xf32, #tpu.memory_space<vmem>>, vector<16xf32>,
    %swap3A_212 = arith.constant 144 : index
    %swap3A_213 = tpu.vector_load %arg10[%swap3A_212] {strides = array<i32>} : memref<768xf32, #tpu.memory_space<vmem>>, vector<16xf32>,
    tpu.vector_store %arg10[%swap3A_212], %scan3A_192#9 {strides = array<i32>} : memref<768xf32, #tpu.memory_space<vmem>>, vector<16xf32>,
    %swap3A_214 = arith.constant 160 : index
    %swap3A_215 = tpu.vector_load %arg10[%swap3A_214] {strides = array<i32>} : memref<768xf32, #tpu.memory_space<vmem>>, vector<16xf32>,
    tpu.vector_store %arg10[%swap3A_214], %scan3A_192#10 {strides = array<i32>} : memref<768xf32, #tpu.memory_space<vmem>>, vector<16xf32>,
    %swap3A_216 = arith.constant 176 : index
    %swap3A_217 = tpu.vector_load %arg10[%swap3A_216] {strides = array<i32>} : memref<768xf32, #tpu.memory_space<vmem>>, vector<16xf32>,
    tpu.vector_store %arg10[%swap3A_216], %scan3A_192#11 {strides = array<i32>} : memref<768xf32, #tpu.memory_space<vmem>>, vector<16xf32>,
    %swap3A_218 = arith.constant 192 : index
    %swap3A_219 = tpu.vector_load %arg10[%swap3A_218] {strides = array<i32>} : memref<768xf32, #tpu.memory_space<vmem>>, vector<16xf32>,
    tpu.vector_store %arg10[%swap3A_218], %scan3A_192#12 {strides = array<i32>} : memref<768xf32, #tpu.memory_space<vmem>>, vector<16xf32>,
    %swap3A_220 = arith.constant 208 : index
    %swap3A_221 = tpu.vector_load %arg10[%swap3A_220] {strides = array<i32>} : memref<768xf32, #tpu.memory_space<vmem>>, vector<16xf32>,
    tpu.vector_store %arg10[%swap3A_220], %scan3A_192#13 {strides = array<i32>} : memref<768xf32, #tpu.memory_space<vmem>>, vector<16xf32>,
    %swap3A_222 = arith.constant 224 : index
    %swap3A_223 = tpu.vector_load %arg10[%swap3A_222] {strides = array<i32>} : memref<768xf32, #tpu.memory_space<vmem>>, vector<16xf32>,
    tpu.vector_store %arg10[%swap3A_222], %scan3A_192#14 {strides = array<i32>} : memref<768xf32, #tpu.memory_space<vmem>>, vector<16xf32>,
    %swap3A_224 = arith.constant 240 : index
    %swap3A_225 = tpu.vector_load %arg10[%swap3A_224] {strides = array<i32>} : memref<768xf32, #tpu.memory_space<vmem>>, vector<16xf32>,
    tpu.vector_store %arg10[%swap3A_224], %scan3A_192#15 {strides = array<i32>} : memref<768xf32, #tpu.memory_space<vmem>>, vector<16xf32>,
    %swap3A_226 = arith.constant 256 : index
    %swap3A_227 = tpu.vector_load %arg10[%swap3A_226] {strides = array<i32>} : memref<768xf32, #tpu.memory_space<vmem>>, vector<16xf32>,
    tpu.vector_store %arg10[%swap3A_226], %scan3A_192#16 {strides = array<i32>} : memref<768xf32, #tpu.memory_space<vmem>>, vector<16xf32>,
    %swap3A_228 = arith.constant 272 : index
    %swap3A_229 = tpu.vector_load %arg10[%swap3A_228] {strides = array<i32>} : memref<768xf32, #tpu.memory_space<vmem>>, vector<16xf32>,
    tpu.vector_store %arg10[%swap3A_228], %scan3A_192#17 {strides = array<i32>} : memref<768xf32, #tpu.memory_space<vmem>>, vector<16xf32>,
    %swap3A_230 = arith.constant 288 : index
    %swap3A_231 = tpu.vector_load %arg10[%swap3A_230] {strides = array<i32>} : memref<768xf32, #tpu.memory_space<vmem>>, vector<16xf32>,
    tpu.vector_store %arg10[%swap3A_230], %scan3A_192#18 {strides = array<i32>} : memref<768xf32, #tpu.memory_space<vmem>>, vector<16xf32>,
    %swap3A_232 = arith.constant 304 : index
    %swap3A_233 = tpu.vector_load %arg10[%swap3A_232] {strides = array<i32>} : memref<768xf32, #tpu.memory_space<vmem>>, vector<16xf32>,
    tpu.vector_store %arg10[%swap3A_232], %scan3A_192#19 {strides = array<i32>} : memref<768xf32, #tpu.memory_space<vmem>>, vector<16xf32>,
    %swap3A_234 = arith.constant 320 : index
    %swap3A_235 = tpu.vector_load %arg10[%swap3A_234] {strides = array<i32>} : memref<768xf32, #tpu.memory_space<vmem>>, vector<16xf32>,
    tpu.vector_store %arg10[%swap3A_234], %scan3A_192#20 {strides = array<i32>} : memref<768xf32, #tpu.memory_space<vmem>>, vector<16xf32>,
    %swap3A_236 = arith.constant 336 : index
    %swap3A_237 = tpu.vector_load %arg10[%swap3A_236] {strides = array<i32>} : memref<768xf32, #tpu.memory_space<vmem>>, vector<16xf32>,
    tpu.vector_store %arg10[%swap3A_236], %scan3A_192#21 {strides = array<i32>} : memref<768xf32, #tpu.memory_space<vmem>>, vector<16xf32>,
    %swap3A_238 = arith.constant 352 : index
    %swap3A_239 = tpu.vector_load %arg10[%swap3A_238] {strides = array<i32>} : memref<768xf32, #tpu.memory_space<vmem>>, vector<16xf32>,
    tpu.vector_store %arg10[%swap3A_238], %scan3A_192#22 {strides = array<i32>} : memref<768xf32, #tpu.memory_space<vmem>>, vector<16xf32>,
    %swap3A_240 = arith.constant 368 : index
    %swap3A_241 = tpu.vector_load %arg10[%swap3A_240] {strides = array<i32>} : memref<768xf32, #tpu.memory_space<vmem>>, vector<16xf32>,
    tpu.vector_store %arg10[%swap3A_240], %scan3A_192#23 {strides = array<i32>} : memref<768xf32, #tpu.memory_space<vmem>>, vector<16xf32>,
    %swap3A_242 = arith.constant 384 : index
    %swap3A_243 = tpu.vector_load %arg10[%swap3A_242] {strides = array<i32>} : memref<768xf32, #tpu.memory_space<vmem>>, vector<16xf32>,
    tpu.vector_store %arg10[%swap3A_242], %scan3A_192#24 {strides = array<i32>} : memref<768xf32, #tpu.memory_space<vmem>>, vector<16xf32>,
    %swap3A_244 = arith.constant 400 : index
    %swap3A_245 = tpu.vector_load %arg10[%swap3A_244] {strides = array<i32>} : memref<768xf32, #tpu.memory_space<vmem>>, vector<16xf32>,
    tpu.vector_store %arg10[%swap3A_244], %scan3A_192#25 {strides = array<i32>} : memref<768xf32, #tpu.memory_space<vmem>>, vector<16xf32>,
    %swap3A_246 = arith.constant 416 : index
    %swap3A_247 = tpu.vector_load %arg10[%swap3A_246] {strides = array<i32>} : memref<768xf32, #tpu.memory_space<vmem>>, vector<16xf32>,
    tpu.vector_store %arg10[%swap3A_246], %scan3A_192#26 {strides = array<i32>} : memref<768xf32, #tpu.memory_space<vmem>>, vector<16xf32>,
    %swap3A_248 = arith.constant 432 : index
    %swap3A_249 = tpu.vector_load %arg10[%swap3A_248] {strides = array<i32>} : memref<768xf32, #tpu.memory_space<vmem>>, vector<16xf32>,
    tpu.vector_store %arg10[%swap3A_248], %scan3A_192#27 {strides = array<i32>} : memref<768xf32, #tpu.memory_space<vmem>>, vector<16xf32>,
    %swap3A_250 = arith.constant 448 : index
    %swap3A_251 = tpu.vector_load %arg10[%swap3A_250] {strides = array<i32>} : memref<768xf32, #tpu.memory_space<vmem>>, vector<16xf32>,
    tpu.vector_store %arg10[%swap3A_250], %scan3A_192#28 {strides = array<i32>} : memref<768xf32, #tpu.memory_space<vmem>>, vector<16xf32>,
    %swap3A_252 = arith.constant 464 : index
    %swap3A_253 = tpu.vector_load %arg10[%swap3A_252] {strides = array<i32>} : memref<768xf32, #tpu.memory_space<vmem>>, vector<16xf32>,
    tpu.vector_store %arg10[%swap3A_252], %scan3A_192#29 {strides = array<i32>} : memref<768xf32, #tpu.memory_space<vmem>>, vector<16xf32>,
    %swap3A_254 = arith.constant 480 : index
    %swap3A_255 = tpu.vector_load %arg10[%swap3A_254] {strides = array<i32>} : memref<768xf32, #tpu.memory_space<vmem>>, vector<16xf32>,
    tpu.vector_store %arg10[%swap3A_254], %scan3A_192#30 {strides = array<i32>} : memref<768xf32, #tpu.memory_space<vmem>>, vector<16xf32>,
    %swap3A_256 = arith.constant 496 : index
    %swap3A_257 = tpu.vector_load %arg10[%swap3A_256] {strides = array<i32>} : memref<768xf32, #tpu.memory_space<vmem>>, vector<16xf32>,
    tpu.vector_store %arg10[%swap3A_256], %scan3A_192#31 {strides = array<i32>} : memref<768xf32, #tpu.memory_space<vmem>>, vector<16xf32>,
    %swap3A_258 = arith.constant 512 : index
    %swap3A_259 = tpu.vector_load %arg10[%swap3A_258] {strides = array<i32>} : memref<768xf32, #tpu.memory_space<vmem>>, vector<16xf32>,
    tpu.vector_store %arg10[%swap3A_258], %scan3A_192#32 {strides = array<i32>} : memref<768xf32, #tpu.memory_space<vmem>>, vector<16xf32>,
    %swap3A_260 = arith.constant 528 : index
    %swap3A_261 = tpu.vector_load %arg10[%swap3A_260] {strides = array<i32>} : memref<768xf32, #tpu.memory_space<vmem>>, vector<16xf32>,
    tpu.vector_store %arg10[%swap3A_260], %scan3A_192#33 {strides = array<i32>} : memref<768xf32, #tpu.memory_space<vmem>>, vector<16xf32>,
    %swap3A_262 = arith.constant 544 : index
    %swap3A_263 = tpu.vector_load %arg10[%swap3A_262] {strides = array<i32>} : memref<768xf32, #tpu.memory_space<vmem>>, vector<16xf32>,
    tpu.vector_store %arg10[%swap3A_262], %scan3A_192#34 {strides = array<i32>} : memref<768xf32, #tpu.memory_space<vmem>>, vector<16xf32>,
    %swap3A_264 = arith.constant 560 : index
    %swap3A_265 = tpu.vector_load %arg10[%swap3A_264] {strides = array<i32>} : memref<768xf32, #tpu.memory_space<vmem>>, vector<16xf32>,
    tpu.vector_store %arg10[%swap3A_264], %scan3A_192#35 {strides = array<i32>} : memref<768xf32, #tpu.memory_space<vmem>>, vector<16xf32>,
    %swap3A_266 = arith.constant 576 : index
    %swap3A_267 = tpu.vector_load %arg10[%swap3A_266] {strides = array<i32>} : memref<768xf32, #tpu.memory_space<vmem>>, vector<16xf32>,
    tpu.vector_store %arg10[%swap3A_266], %scan3A_192#36 {strides = array<i32>} : memref<768xf32, #tpu.memory_space<vmem>>, vector<16xf32>,
    %swap3A_268 = arith.constant 592 : index
    %swap3A_269 = tpu.vector_load %arg10[%swap3A_268] {strides = array<i32>} : memref<768xf32, #tpu.memory_space<vmem>>, vector<16xf32>,
    tpu.vector_store %arg10[%swap3A_268], %scan3A_192#37 {strides = array<i32>} : memref<768xf32, #tpu.memory_space<vmem>>, vector<16xf32>,
    %swap3A_270 = arith.constant 608 : index
    %swap3A_271 = tpu.vector_load %arg10[%swap3A_270] {strides = array<i32>} : memref<768xf32, #tpu.memory_space<vmem>>, vector<16xf32>,
    tpu.vector_store %arg10[%swap3A_270], %scan3A_192#38 {strides = array<i32>} : memref<768xf32, #tpu.memory_space<vmem>>, vector<16xf32>,
    %swap3A_272 = arith.constant 624 : index
    %swap3A_273 = tpu.vector_load %arg10[%swap3A_272] {strides = array<i32>} : memref<768xf32, #tpu.memory_space<vmem>>, vector<16xf32>,
    tpu.vector_store %arg10[%swap3A_272], %scan3A_192#39 {strides = array<i32>} : memref<768xf32, #tpu.memory_space<vmem>>, vector<16xf32>,
    %swap3A_274 = arith.constant 640 : index
    %swap3A_275 = tpu.vector_load %arg10[%swap3A_274] {strides = array<i32>} : memref<768xf32, #tpu.memory_space<vmem>>, vector<16xf32>,
    tpu.vector_store %arg10[%swap3A_274], %scan3A_192#40 {strides = array<i32>} : memref<768xf32, #tpu.memory_space<vmem>>, vector<16xf32>,
    %swap3A_276 = arith.constant 656 : index
    %swap3A_277 = tpu.vector_load %arg10[%swap3A_276] {strides = array<i32>} : memref<768xf32, #tpu.memory_space<vmem>>, vector<16xf32>,
    tpu.vector_store %arg10[%swap3A_276], %scan3A_192#41 {strides = array<i32>} : memref<768xf32, #tpu.memory_space<vmem>>, vector<16xf32>,
    %swap3A_278 = arith.constant 672 : index
    %swap3A_279 = tpu.vector_load %arg10[%swap3A_278] {strides = array<i32>} : memref<768xf32, #tpu.memory_space<vmem>>, vector<16xf32>,
    tpu.vector_store %arg10[%swap3A_278], %scan3A_192#42 {strides = array<i32>} : memref<768xf32, #tpu.memory_space<vmem>>, vector<16xf32>,
    %swap3A_280 = arith.constant 688 : index
    %swap3A_281 = tpu.vector_load %arg10[%swap3A_280] {strides = array<i32>} : memref<768xf32, #tpu.memory_space<vmem>>, vector<16xf32>,
    tpu.vector_store %arg10[%swap3A_280], %scan3A_192#43 {strides = array<i32>} : memref<768xf32, #tpu.memory_space<vmem>>, vector<16xf32>,
    %swap3A_282 = arith.constant 704 : index
    %swap3A_283 = tpu.vector_load %arg10[%swap3A_282] {strides = array<i32>} : memref<768xf32, #tpu.memory_space<vmem>>, vector<16xf32>,
    tpu.vector_store %arg10[%swap3A_282], %scan3A_192#44 {strides = array<i32>} : memref<768xf32, #tpu.memory_space<vmem>>, vector<16xf32>,
    %swap3A_284 = arith.constant 720 : index
    %swap3A_285 = tpu.vector_load %arg10[%swap3A_284] {strides = array<i32>} : memref<768xf32, #tpu.memory_space<vmem>>, vector<16xf32>,
    tpu.vector_store %arg10[%swap3A_284], %scan3A_192#45 {strides = array<i32>} : memref<768xf32, #tpu.memory_space<vmem>>, vector<16xf32>,
    %swap3A_286 = arith.constant 736 : index
    %swap3A_287 = tpu.vector_load %arg10[%swap3A_286] {strides = array<i32>} : memref<768xf32, #tpu.memory_space<vmem>>, vector<16xf32>,
    tpu.vector_store %arg10[%swap3A_286], %scan3A_192#46 {strides = array<i32>} : memref<768xf32, #tpu.memory_space<vmem>>, vector<16xf32>,
    %swap3A_288 = arith.constant 752 : index
    %swap3A_289 = tpu.vector_load %arg10[%swap3A_288] {strides = array<i32>} : memref<768xf32, #tpu.memory_space<vmem>>, vector<16xf32>,
    tpu.vector_store %arg10[%swap3A_288], %scan3A_192#47 {strides = array<i32>} : memref<768xf32, #tpu.memory_space<vmem>>, vector<16xf32>,
    "tpu.region"() ({
      %run_scoped3A = tpu.sem_alloc : memref<!tpu.dma_semaphore, #tpu.memory_space<semaphore_mem>>
      %dma_start3A_290 = arith.constant 0 : i32
      %dma_start3A_291 = tpu.memref_slice %arg4[%arg1, %dma_start3A_290] : memref<16x768xf32, #tpu.memory_space<hbm>> -> memref<1x768xf32, #tpu.memory_space<hbm>>
      %dma_start3A_292 = tpu.memref_squeeze %dma_start3A_291 : memref<1x768xf32, #tpu.memory_space<hbm>> -> memref<768xf32, #tpu.memory_space<hbm>>
      %dma_start3A_293 = arith.constant 0 : i32
      %dma_start3A_294 = tpu.memref_slice %arg4[%arg1, %dma_start3A_293] : memref<16x768xf32, #tpu.memory_space<hbm>> -> memref<1x768xf32, #tpu.memory_space<hbm>>
      %dma_start3A_295 = tpu.memref_squeeze %dma_start3A_294 : memref<1x768xf32, #tpu.memory_space<hbm>> -> memref<768xf32, #tpu.memory_space<hbm>>
      tpu.enqueue_dma source(%arg10 : memref<768xf32, #tpu.memory_space<vmem>>) target(%dma_start3A_295 : memref<768xf32, #tpu.memory_space<hbm>>) target_semaphore(%run_scoped3A : memref<!tpu.dma_semaphore, #tpu.memory_space<semaphore_mem>>)
      %dma_wait3A_296 = arith.constant 0 : i32
      %dma_wait3A_297 = tpu.memref_slice %arg4[%arg1, %dma_wait3A_296] : memref<16x768xf32, #tpu.memory_space<hbm>> -> memref<1x768xf32, #tpu.memory_space<hbm>>
      %dma_wait3A_298 = tpu.memref_squeeze %dma_wait3A_297 : memref<1x768xf32, #tpu.memory_space<hbm>> -> memref<768xf32, #tpu.memory_space<hbm>>
      %dma_wait3A_299 = arith.constant 0 : i32
      %dma_wait3A_300 = tpu.memref_slice %arg4[%arg1, %dma_wait3A_299] : memref<16x768xf32, #tpu.memory_space<hbm>> -> memref<1x768xf32, #tpu.memory_space<hbm>>
      %dma_wait3A_301 = tpu.memref_squeeze %dma_wait3A_300 : memref<1x768xf32, #tpu.memory_space<hbm>> -> memref<768xf32, #tpu.memory_space<hbm>>
      tpu.wait_dma2 semaphore(%run_scoped3A : memref<!tpu.dma_semaphore, #tpu.memory_space<semaphore_mem>>) src(%arg10 : memref<768xf32, #tpu.memory_space<vmem>>) dst(%dma_wait3A_301 : memref<768xf32, #tpu.memory_space<hbm>>)
      tpu.yield
    }) : () -> ()
    return
  }
}

</mosaic_0001>

<sc_bundles>
// kernel: kernel.3.cloned.1.call-start
scs
__scs_entry_jumppad:
0x0: {  	(pc) =	sbr.rel $0x88, $3  }
0x1: {  	(tag) =	ssettag $0x0;
	lr =	simm.s32 $0x1  }
0x2: {  	[smem:$0x3F9F] =	sst lr;
	_ =	strace $0xD0000000  }
0x3: {  	_ = 	snop  }
0x4: {  	_ = 	snop  }
0x5: {  	_ = 	snop  }
0x6: {  	_ = 	snop  }
0x7: {  	_ = 	snop  }
__scs_overlays_trampoline_lowered:
0x8: {  	[smem:$0x3FAE] =	sst s0  }
0x9: {  	[smem:$0x3FAF] =	sst s1  }
0xa: {  	[smem:$0x3FB0] =	sst s2  }
0xb: {  	[smem:$0x3FB1] =	sst s3  }
0xc: {  	[smem:$0x3FB2] =	sst s4  }
0xd: {  	[smem:$0x3FB3] =	sst s5  }
0xe: {  	[smem:$0x3FB4] =	sst s6  }
0xf: {  	[smem:$0x3FB5] =	sst s7  }
0x10: {  	[smem:$0x3FB6] =	sst s8  }
0x11: {  	[smem:$0x3FB7] =	sst s9;
	s0 =	simm.s32 @!p0 $0x0  }
0x12: {  	s1 =	sld [smem:$0x3F9D];
	s0 =	simm.s32 @p0 $0x1  }
0x13: {  	[smem:$0x3FB8] =	sst s0;
	s0 =	simm.s32 @!p1 $0x0  }
0x14: {  	s2 =	sld [smem:$0x3F9C];
	s0 =	simm.s32 @p1 $0x1  }
0x15: {  	[smem:$0x3FB9] =	sst s0;
	s0 =	simm.s32 @!p2 $0x0  }
0x16: {  	s3 =	sld [smem:$0x3FDB];
	s0 =	simm.s32 @p2 $0x1  }
0x17: {  	s4 =	simm.s32 $0x1BF5;
	[smem:$0x3FBB] =	sst s0  }
0x18: {  	s0 =	sld [smem:$0x3F9E];
	_ =	swait.ge [sflag:s4], $0x0  }
0x19: {  	s7 =	sld [smem:$0x3F9F]  }
0x1a: {  	s8 =	sadd.s32 $0xFFFFE003, lr  }
0x1b: {  	s9 =	sadd.s32 $0xFFFFFEF7, lr;
	s5 =	simm.s32 $0xFFFFFFFF;
	p2 =	slt.u32 s8, $0xFFFFF086  }
0x1c: {  	p1 =	slt.u32 s9, $0xF7A;
	s5 =	simm.s32 @!p2 $0x0  }
0x1d: {  	s5 =	simm.s32 @p1 $0x1;
	p0 =	seq.s32 s7, s2  }
0x1e: {  	s7 =	smul.u32 @!p0 $0xF7A, s2;
	p2 =	seq.s32 @!p0 s5, $0x0  }
0x1f: {  	s9 =	smul.u32 $0xF7A, s1;
	s8 =	simm.s32 @!p0 $0x1BF5;
	p2 =	por !p2, p0  }
0x20: {  	[sflag:s8] =	ssyncset.s32 @!p0 $0xFFFFF086;
	s6 =	sadd.s32 @!p0 s3, s7;
	s7 =	simm.s32 @!p0 $0x108  }
0x21: {  	s3 =	sadd.s32 s3, s9;
	s6 =	sadd.s32 @!p0 $0x88, s6;
	s7 =	simm.s32 @p2 $0x1082  }
0x22: {  	[simem:s7], [sflag:s8] =	dma.local @!p0 [hbm:s6], $0xF7A  }
0x23: {  	s9 =	sor.u32 $0xD0000000, s2;
	s6 =	simm.s32 $0x108;
	_ =	swait.ge @!p0 [sflag:s8], $0x0  }
0x24: {  	s3 =	sadd.s32 $0x88, s3;
	s6 =	simm.s32 @!p1 $0x1082;
	[sflag:s4] =	ssyncset.s32 $0xFFFFF086  }
0x25: {  	[simem:s6], [sflag:s4] =	dma.local [hbm:s3], $0xF7A  }
0x26: {  	[smem:$0x3F9F] =	sst s1;
	(tag) =	ssettag s2;
	_ =	strace s9  }
0x27: {  	s1 =	sld [smem:$0x3FAF]  }
0x28: {  	s2 =	sld [smem:$0x3FB0]  }
0x29: {  	s4 =	sld [smem:$0x3FB2]  }
0x2a: {  	p0 =	seq.s32 s5, $0x0;
	s5 =	sld [smem:$0x3FB3]  }
0x2b: {  	s6 =	sld [smem:$0x3FB4]  }
0x2c: {  	s7 =	sld [smem:$0x3FB5]  }
0x2d: {  	s3 =	simm.s32 $0x108;
	s8 =	sld [smem:$0x3FB6]  }
0x2e: {  	s3 =	simm.s32 @!p0 $0x1082;
	s9 =	sld [smem:$0x3FB7]  }
0x2f: {  	lr =	sadd.s32 s0, s3;
	s0 =	sld [smem:$0x3FAE]  }
0x30: {  	s3 =	sld [smem:$0x3FB1]  }
0x31: {  	[smem:$0x3FBA] =	sst s10  }
0x32: {  	s10 =	sld [smem:$0x3FB8];
	_ =	sdelay $0x3  }
0x33: {  	p0 =	seq.s32 s10, $0x1;
	s10 =	sld [smem:$0x3FBA];
	_ =	sdelay $0x3  }
0x34: {  	[smem:$0x3FBA] =	sst s10  }
0x35: {  	s10 =	sld [smem:$0x3FB9];
	_ =	sdelay $0x3  }
0x36: {  	p1 =	seq.s32 s10, $0x1;
	s10 =	sld [smem:$0x3FBA];
	_ =	sdelay $0x3  }
0x37: {  	[smem:$0x3FBA] =	sst s10  }
0x38: {  	s10 =	sld [smem:$0x3FBB]  }
0x39: {  	_ = 	snop;
	(pc) =	sbr.ind lr, $3  }
0x3a: {  	_ = 	snop  }
0x3b: {  	_ = 	snop  }
0x3c: {  	p2 =	seq.s32 s10, $0x1;
	s10 =	sld [smem:$0x3FBA]  }
0x3d: {  	_ =	shalt  }
0x3e: {  	_ =	shalt  }
0x3f: {  	_ =	shalt  }
0x40: {  	_ =	shalt  }
0x41: {  	_ =	shalt  }
0x42: {  	_ =	shalt  }
0x43: {  	_ =	shalt  }
0x44: {  	_ =	shalt  }
0x45: {  	_ =	shalt  }
0x46: {  	_ =	shalt  }
0x47: {  	_ =	shalt  }
0x48: {  	_ =	shalt  }
0x49: {  	_ =	shalt  }
0x4a: {  	_ =	shalt  }
0x4b: {  	_ =	shalt  }
0x4c: {  	_ =	shalt  }
0x4d: {  	_ =	shalt  }
0x4e: {  	_ =	shalt  }
0x4f: {  	_ =	shalt  }
0x50: {  	_ =	shalt  }
0x51: {  	_ =	shalt  }
0x52: {  	_ =	shalt  }
0x53: {  	_ =	shalt  }
0x54: {  	_ =	shalt  }
0x55: {  	_ =	shalt  }
0x56: {  	_ =	shalt  }
0x57: {  	_ =	shalt  }
0x58: {  	_ =	shalt  }
0x59: {  	_ =	shalt  }
0x5a: {  	_ =	shalt  }
0x5b: {  	_ =	shalt  }
0x5c: {  	_ =	shalt  }
0x5d: {  	_ =	shalt  }
0x5e: {  	_ =	shalt  }
0x5f: {  	_ =	shalt  }
0x60: {  	_ =	shalt  }
0x61: {  	_ =	shalt  }
0x62: {  	_ =	shalt  }
0x63: {  	_ =	shalt  }
0x64: {  	_ =	shalt  }
0x65: {  	_ =	shalt  }
0x66: {  	_ =	shalt  }
0x67: {  	_ =	shalt  }
0x68: {  	_ =	shalt  }
0x69: {  	_ =	shalt  }
0x6a: {  	_ =	shalt  }
0x6b: {  	_ =	shalt  }
0x6c: {  	_ =	shalt  }
0x6d: {  	_ =	shalt  }
0x6e: {  	_ =	shalt  }
0x6f: {  	_ =	shalt  }
0x70: {  	_ =	shalt  }
0x71: {  	_ =	shalt  }
0x72: {  	_ =	shalt  }
0x73: {  	_ =	shalt  }
0x74: {  	_ =	shalt  }
0x75: {  	_ =	shalt  }
0x76: {  	_ =	shalt  }
0x77: {  	_ =	shalt  }
0x78: {  	_ =	shalt  }
0x79: {  	_ =	shalt  }
0x7a: {  	_ =	shalt  }
0x7b: {  	_ =	shalt  }
0x7c: {  	_ =	shalt  }
0x7d: {  	_ =	shalt  }
0x7e: {  	_ =	shalt  }
0x7f: {  	_ =	shalt  }
0x80: {  	_ =	shalt  }
0x81: {  	_ =	shalt  }
0x82: {  	_ =	shalt  }
0x83: {  	_ =	shalt  }
0x84: {  	_ =	shalt  }
0x85: {  	_ =	shalt  }
0x86: {  	_ =	shalt  }
0x87: {  	_ =	shalt  }
.Lfunc_end0:
.L_simem_size_0:
called_computation_lowered:
.L_overlay_start_0:
0x88: {  	s0 =	sld [smem:$0x3FD9]  }
0x89: {  	s1 =	sld [smem:$0x3FFE];
	_ =	sdelay $0x3  }
0x8a: {  	s0 =	sadd.s32 s1, s0  }
0x8b: {  	[smem:$0x3FC6] =	sst s0  }
0x8c: {  	_ = 	snop  }
0x8d: {  	s0 =	sld [smem:$0x3FC9]  }
0x8e: {  	s17 =	sld [smem:$0x3FC8]  }
0x8f: {  	s2 =	sld [smem:$0x3FD0];
	(tm) =	ssettm $0x1  }
0x90: {  	s3 =	sld [smem:$0x3FFB];
	_ =	sdelay $0x3  }
0x91: {  	_ =	strace s3  }
0x92: {  	s3 =	sld [smem:$0x3FFC];
	_ =	sdelay $0x3  }
0x93: {  	_ =	strace s3  }
0x94: {  	s3 =	sld [smem:$0x3FFD];
	_ =	sdelay $0x3  }
0x95: {  	_ =	strace s3  }
0x96: {  	_ =	strace $0x8FFFFFFF  }
0x97: {  	s18 =	sld [smem:$0x3FDB];
	_ =	sdelay $0x1  }
0x98: {  	s4 =	simm.s32 $_scs_section_size  }
0x99: {  	s5 =	simm.s32 $_size__tile_overlayer_lowered;
	s6 =	simm.s32 $_tile_overlayer_lowered  }
0x9a: {  	s21 =	simm.s32 $0x1BFF;
	s20 =	sshll.u32 s6, $0x1;
	s3 =	sadd.s32 s4, s18  }
0x9b: {  	s7 =	simm.s32 $0x0;
	s19 =	sshll.u32 s5, $0x1;
	s5 =	sadd.s32 s20, s3  }
0x9c: {  	[timem:s7], [sflag:s21] =	dma.local [hbm:s5], s19  }
0x9d: {  	_ =	swait.ge [sflag:s21], s19  }
0x9e: {  	s4 =	ssub.s32 $0x0, s19;
	[sflag:s21] =	ssyncset.done $0x0  }
0x9f: {  	[sflag:s21] =	ssyncadd.s32 s4;
	_ =	sdelay $0x1  }
0xa0: {  	s22 =	simm.s32 $0x1B8B  }
0xa1: {  	_ =	swait.ge [sflag:s22], $0x1  }
0xa2: {  	[sflag:s22] =	ssyncset.done $0x0  }
0xa3: {  	s23 =	simm.s32 $0x1B8E;
	[sflag:s22] =	ssyncadd.s32 $0xFFFFFFFF  }
0xa4: {  	s24 =	simm.s32 $execute0_lowered;
	[smem:$0x3FD2] =	sst s23  }
0xa5: {  	s4 =	sshll.u32 s24, $0x1;
	_ =	strace $0x80000046;
	[dreg:$0x1] =	wrdreg $0xFFFFFFFF  }
0xa6: {  	s25 =	simm.s32 $_size_execute0_lowered;
	s3 =	sadd.s32 s3, s4;
	[dreg:$0x0] =	wrdreg $0x0  }
0xa7: {  	s4 =	sshll.u32 s25, $0x1;
	[dreg:$0x2] =	wrdreg s3  }
0xa8: {  	[dreg:$0x3] =	wrdreg s4  }
0xa9: {  	[dreg:$0x4] =	wrdreg $0xC0  }
0xaa: {  	_ =	task [dreg:s7], $0x5FFFF  }
0xab: {  	[dreg:$0x1] =	wrdreg $0xFFFFFFFF  }
0xac: {  	[dreg:$0x0] =	wrdreg $0x60  }
0xad: {  	[dreg:$0x2] =	wrdreg s0  }
0xae: {  	[dreg:$0x3] =	wrdreg s17  }
0xaf: {  	[dreg:$0x4] =	wrdreg s2  }
0xb0: {  	[dreg:$0x5] =	wrdreg $0x9  }
0xb1: {  	_ =	task.clear_ibuf [dreg:s7], $0x6FFFF;
	_ =	strace $0x90000046  }
0xb2: {  	s26 =	simm.s32 $0x9;
	_ =	strace $0x80000048  }
0xb3: {  	_ =	swait.ge [sflag:s26], $0x1  }
0xb4: {  	[sflag:s26] =	ssyncadd.s32 $0xFFFFFFFF  }
0xb5: {  	_ =	strace $0x90000048  }
0xb6: {  	_ =	sfence  }
0xb7: {  	s28 =	sld [smem:$0x0];
	_ =	sdelay $0x1  }
0xb8: {  	s29 =	srdreg.scid  }
0xb9: {  	s30 =	sshll.u32 s29, $0xD;
	s31 =	sshrl.u32 s29, $0x2  }
0xba: {  	s1 =	sand.u32 $0x1, s29;
	s2 =	sand.u32 $0x4000, s30;
	s0 =	sadd.s32 s31, s28  }
0xbb: {  	s1 =	sor.u32 s2, s1;
	s0 =	sshll.u32 s0, $0x11  }
0xbc: {  	s0 =	sor.u32 s0, s1  }
0xbd: {  	s0 =	sadd.s32 $0x8F2B, s0  }
0xbe: {  	[sflag:s0] =	ssyncadd.remote.s32 $0x1  }
0xbf: {  	_ =	sfence.sel $0xFFFF  }
0xc0: {  	[dreg:$0x0] =	wrdreg $0xFFFFFFFF;
	(pc) =	sbr.abs _section_cstart, $3  }
0xc1: {  	[dreg:$0x1] =	wrdreg $0xFFFFFFFF  }
0xc2: {  	_ =	task.clear_ibuf [dreg:s7], $0x2FFFF;
	_ =	strace $0x9FFFFFFF  }
0xc3: {  	(tm) =	ssettm $0x7FFFFFFF  }
tec
execute0_lowered:
.L_overlay_start_1:
0x0: {  	(tag) =	ssettag $0x1  }
0x1: {  	s1 =	rddreg [dreg:$0x0]  }
0x2: {  	s3 =	rddreg [dreg:$0x1]  }
0x3: {  	s2 =	rddreg [dreg:$0x2];
	s4 =	simm.s32 $0x0  }
0x4: {  	[smem:$0x7FF] =	sst s4  }
0x5: {  	s0 =	rddreg [dreg:$0x3];
	s31 =	simm.s32 $0x2;
	_ =	strace $0x80000047  }
0x6: {  	[tilespmem:s4], [sflag:$0x2] =	stream.linear.gather [hbm4b:s1+s4], $0x400, $0x38;
	[tilespmem:$0x6880] =	vst v63  }
0x7: {  	_ =	swait.ge [sflag:s31], $0x400  }
0x8: {  	[sflag:s31] =	ssyncset.done $0x0  }
0x9: {  	[sflag:s31] =	ssyncadd.s32 $0xFFFFFC00  }
0xa: {  	v4 =	vld [tilespmem:s4+$0x0];
	_ =	sdelay $0x2  }
0xb: {  	v0 =	vimm.f32 $-3.000000010e+38  }
0xc: {  	v2 =	vlaneseq.u32;
	v5 =	vimm.f32 $-3.000000010e+38;
	v6 =	vlaneseq.u32  }
0xd: {  	s5 =	simm.s32 $0x10;
	v3 =	vlaneseq.u32;
	v1 =	vor.u32 s4, v2;
	s1 =	stileid.u32;
	s4 =	simm.s32 $0x10;
	vm0 =	vgt.f32 v4, v0  }
.LBB2_1:
0xe: {  	v7 =	vld [tilespmem:s5+$0x0];
	p0 =	sne.s32 s4, $0x3F0;
	vm1 =	vgt.f32 v4, v0;
	v5 =	vsel vm0, v4, v5;
	v6 =	vsel vm0, v1, v6;
	s6 =	smov.u32 s4;
	s4 =	sadd.s32 $0x10, s4  }
.Ltmp0:
0xf: {  	v5 =	vsel vm1, v0, v5;
	v6 =	vsel vm1, v3, v6;
	v0 =	vsel vm1, v4, v0;
	(pc) =	sbr.rel @p0 .LBB2_1-.Ltmp0, $2  }
0x10: {  	v3 =	vsel vm1, v1, v3;
	_ =	sdelay $0x2  }
0x11: {  	s5 =	sadd.s32 $0x10, s5;
	v1 =	vor.u32 s6, v2;
	vm0 =	vgt.f32 v7, v5;
	v4 =	vmov v7  }
0x12: {  	vm1 =	vgt.f32 v4, v0;
	v2 =	vsel vm0, v4, v5  }
0x13: {  	v5 =	vsel vm0, v1, v6;
	v4 =	vsel vm1, v4, v0;
	v1 =	vsel vm1, v1, v3  }
0x14: {  	v0 =	vsel vm1, v0, v2;
	v2 =	vsel vm1, v3, v5;
	(xrf1) =	vsort.dscd.msk.f32 $0xffff, v4, v1  }
0x15: {  	(xrf1) =	vsort.dscd.msk.f32 $0xffff, v0, v2;
	_ =	sdelay $0xa  }
0x16: {  	v0 =	vlaneseq.u32  }
0x17: {  	v1 =	vmul.u32 $0xFFFFFFFF, v0  }
0x18: {  	v2, v3, _ =	vpop (xrf1)  }
0x19: {  	v1 =	vadd.s32 $0xF, v1;
	v4, v5, _ =	vpop (xrf1)  }
0x1a: {  	v4 =	vperm.xlane v4, v1  }
0x1b: {  	v1 =	vperm.xlane v5, v1  }
0x1c: {  	vm13 =	vge.f32 v2, v4  }
0x1d: {  	v2 =	vsel vm13, v4, v2;
	v1 =	vsel vm13, v1, v3  }
0x1e: {  	(xrf1) =	vsort.dscd.msk.f32 $0xffff, v2, v1;
	_ =	sdelay $0x2  }
0x1f: {  	v1 =	vimm.f32 $-3.000000010e+38  }
0x20: {  	[tilespmem:$0x480] =	vst v1  }
0x21: {  	[tilespmem:$0x490] =	vst v1  }
0x22: {  	[tilespmem:$0x4A0] =	vst v1  }
0x23: {  	[tilespmem:$0x4B0] =	vst v1  }
0x24: {  	[tilespmem:$0x4C0] =	vst v1  }
0x25: {  	[tilespmem:$0x4D0] =	vst v1  }
0x26: {  	[tilespmem:$0x4E0] =	vst v1  }
0x27: {  	s5 =	simm.s32 $0x0;
	[tilespmem:$0x4F0] =	vst v1  }
0x28: {  	v3 =	vld [tilespmem:s5+$0x0];
	_ =	sdelay $0x1  }
0x29: {  	v1, _, _ =	vpop (xrf1)  }
0x2a: {  	v1 =	vbroadcast v1, $0xF;
	_ =	sdelay $0x1  }
0x2b: {  	v2 =	vimm.s32 $0x0;
	vm14 =	vge.f32 v3, v1  }
0x2c: {  	v4 =	vsel vm14, $0x1, v2  }
0x2d: {  	(xrf0) =	vadd.scan.msk.s32 $0xffff, v4;
	_ =	sdelay $0x2  }
0x2e: {  	v4 =	vmov s5  }
0x2f: {  	v4 =	vadd.s32 $0xFFFFFFFF, v4  }
0x30: {  	v4 =	vbroadcast v4, $0x0  }
0x31: {  	v5, _, _ =	vpop (xrf0)  }
0x32: {  	v4 =	vadd.s32 v5, v4;
	(v2sf) =	vpush v5, $0xF  }
0x33: {  	vm15 =	vlt.s32 v4, $0x7F  }
0x34: {  	v4 =	vnsel vm15, $0x7F, v4;
	_ =	sdelay $0x3  }
0x35: {  	s6 =	simm.s32 $0x480  }
0x36: {  	s4 =	simm.s32 $0x500;
	[tilespmem:v4+s6+$0x0] =	vst.idx.msk vm14, v3;
	v3 =	vor.u32 s5, v0  }
0x37: {  	s7 =	simm.s32 $0x10;
	[tilespmem:v4+s4+$0x0] =	vst.idx.msk vm14, v3  }
0x38: {  	s8 =	simm.s32 $0x20;
	s9 =	simm.s32 $0x10;
	v3 =	vld [tilespmem:s7+$0x0]  }
.LBB2_3:
0x39: {  	p0 =	sne.s32 s8, $0x3F0;
	_ =	sdelay $0x3  }
0x3a: {  	vm0 =	vge.f32 v3, v1  }
0x3b: {  	v4 =	vsel vm0, $0x1, v2;
	s10 =	spop (v2sf)  }
0x3c: {  	(xrf0) =	vadd.scan.msk.s32 $0xffff, v4;
	s5 =	sadd.s32 s5, s10  }
0x3d: {  	v4 =	vmov s5  }
0x3e: {  	v4 =	vadd.s32 $0xFFFFFFFF, v4  }
0x3f: {  	v4 =	vbroadcast v4, $0x0;
	_ =	sdelay $0x2  }
0x40: {  	v5, _, _ =	vpop (xrf0)  }
0x41: {  	v4 =	vadd.s32 v5, v4;
	(v2sf) =	vpush v5, $0xF  }
0x42: {  	vm1 =	vlt.s32 v4, $0x7F  }
0x43: {  	v4 =	vnsel vm1, $0x7F, v4;
	_ =	sdelay $0x2  }
.Ltmp1:
0x44: {  	(pc) =	sbr.rel @p0 .LBB2_3-.Ltmp1, $4  }
0x45: {  	_ = 	snop  }
0x46: {  	v5 =	vor.u32 s7, v0;
	s7 =	smov.u32 s8;
	[tilespmem:v4+s6+$0x0] =	vst.idx.msk vm0, v3  }
0x47: {  	s9 =	sadd.s32 $0x10, s9;
	[tilespmem:v4+s4+$0x0] =	vst.idx.msk vm0, v5  }
0x48: {  	s8 =	sadd.s32 $0x10, s8;
	v3 =	vld [tilespmem:s9+$0x0]  }
0x49: {  	_ =	sdelay $0x3  }
0x4a: {  	vm0 =	vge.f32 v3, v1  }
0x4b: {  	v1 =	vsel vm0, $0x1, v2  }
0x4c: {  	(xrf0) =	vadd.scan.msk.s32 $0xffff, v1;
	_ =	sdelay $0x5  }
0x4d: {  	v1, _, _ =	vpop (xrf0)  }
0x4e: {  	(v2sf) =	vpush v1, $0xF;
	_ =	sdelay $0x7  }
0x4f: {  	s8 =	spop (v2sf)  }
0x50: {  	s5 =	sadd.s32 s5, s8  }
0x51: {  	v2 =	vmov s5  }
0x52: {  	v2 =	vadd.s32 $0xFFFFFFFF, v2  }
0x53: {  	v2 =	vbroadcast v2, $0x0;
	_ =	sdelay $0x1  }
0x54: {  	v1 =	vadd.s32 v1, v2  }
0x55: {  	vm1 =	vlt.s32 v1, $0x7F;
	s9 =	spop (v2sf)  }
0x56: {  	v1 =	vnsel vm1, $0x7F, v1;
	s5 =	sadd.s32 s5, s9  }
0x57: {  	p0 =	sgt.s32 s5, $0x7F  }
.Ltmp2:
0x58: {  	s29 =	sshrl.u32 s1, $0x3;
	(pc) =	sbr.rel @p0 .LBB2_6-.Ltmp2, $4  }
0x59: {  	s10 =	sshll.u32 s1, $0x7;
	s8 =	smul.u32 $0x1800, s29  }
0x5a: {  	s30 =	sand.u32 $0x380, s10  }
0x5b: {  	s31 =	sor.u32 s30, s8;
	v2 =	vor.u32 s7, v0;
	v0 =	vmov s1;
	[tilespmem:v1+s6+$0x0] =	vst.idx.msk vm0, v3  }
0x5c: {  	s6 =	sadd.s32 $0x100, s3;
	[tilespmem:v1+s4+$0x0] =	vst.idx.msk vm0, v2;
	v1 =	vand.u32 $0x7, v0;
	s4 =	sshrl.u32 s31, $0x3;
	s5 =	sadd.s32 $0x200, s3  }
0x5d: {  	v2 =	vld [tilespmem:$0x480]  }
0x5e: {  	v3 =	vld [tilespmem:$0x500]  }
0x5f: {  	v4 =	vld [tilespmem:$0x490]  }
0x60: {  	v5 =	vld [tilespmem:$0x510];
	_ =	sdelay $0x3  }
0x61: {  	(xrf1) =	vsort.dscd.msk.f32 $0xffff, v2, v3  }
0x62: {  	(xrf1) =	vsort.dscd.msk.f32 $0xffff, v4, v5;
	_ =	sdelay $0xa  }
0x63: {  	v2 =	vlaneseq.u32  }
0x64: {  	v2 =	vmul.u32 $0xFFFFFFFF, v2  }
0x65: {  	v3, v4, _ =	vpop (xrf1)  }
0x66: {  	v2 =	vadd.s32 $0xF, v2;
	v5, v6, _ =	vpop (xrf1)  }
0x67: {  	v5 =	vperm.xlane v5, v2  }
0x68: {  	v2 =	vperm.xlane v6, v2  }
0x69: {  	vm0 =	vge.f32 v3, v5  }
0x6a: {  	v6 =	vsel vm0, v3, v5;
	v7 =	vsel vm0, v4, v2  }
0x6b: {  	v3 =	vsel vm0, v5, v3;
	v2 =	vsel vm0, v2, v4;
	(xrf1) =	vsort.dscd.msk.f32 $0xffff, v6, v7  }
0x6c: {  	(xrf1) =	vsort.dscd.msk.f32 $0xffff, v3, v2;
	_ =	sdelay $0x3  }
0x6d: {  	v2 =	vld [tilespmem:$0x4A0];
	_ =	sdelay $0x4  }
0x6e: {  	(xrf0) =	vmax.scan.msk.f32 $0xffff, v2;
	_ =	sdelay $0x3  }
0x6f: {  	v3, v4, _ =	vpop (xrf1)  }
0x70: {  	v5, v6, _ =	vpop (xrf1)  }
0x71: {  	v7, _, _ =	vpop (xrf0);
	(v2sf) =	vpush v5, $0xF  }
0x72: {  	(v2sf) =	vpush v7, $0xF;
	_ =	sdelay $0xd  }
0x73: {  	s7 =	spop (v2sf)  }
0x74: {  	s8 =	spop (v2sf)  }
0x75: {  	p1 =	sgt.f32 s8, s7;
	_ =	sdelay $0x1  }
0x76: {  	v7 =	vld @p1 [tilespmem:$0x520];
	_ =	sdelay $0x4  }
0x77: {  	(xrf1) =	vsort.dscd.msk.f32 @p1 $0xffff, v2, v7;
	_ =	sdelay $0xa  }
0x78: {  	v2 =	vlaneseq.u32 @p1  }
0x79: {  	v2 =	vmul.u32 @p1 $0xFFFFFFFF, v2;
	_ =	sdelay $0x1  }
0x7a: {  	v2 =	vadd.s32 @p1 $0xF, v2;
	v7, v8, _ =	vpop @p1 (xrf1)  }
0x7b: {  	v7 =	vperm.xlane @p1 v7, v2  }
0x7c: {  	v8 =	vperm.xlane @p1 v8, v2  }
0x7d: {  	vm0 =	vge.f32 @p1 v5, v7  }
0x7e: {  	v7 =	vsel @p1 vm0, v5, v7;
	v8 =	vsel @p1 vm0, v6, v8  }
0x7f: {  	(xrf1) =	vsort.dscd.msk.f32 @p1 $0xffff, v7, v8;
	_ =	sdelay $0xd  }
0x80: {  	v7, v8, _ =	vpop @p1 (xrf1)  }
0x81: {  	v7 =	vperm.xlane @p1 v7, v2  }
0x82: {  	v2 =	vperm.xlane @p1 v8, v2  }
0x83: {  	vm0 =	vge.f32 @p1 v3, v7  }
0x84: {  	v8 =	vsel @p1 vm0, v3, v7;
	v9 =	vsel @p1 vm0, v4, v2  }
0x85: {  	v7 =	vsel @p1 vm0, v7, v3;
	v2 =	vsel @p1 vm0, v2, v4;
	(xrf1) =	vsort.dscd.msk.f32 @p1 $0xffff, v8, v9  }
0x86: {  	(xrf1) =	vsort.dscd.msk.f32 @p1 $0xffff, v7, v2;
	_ =	sdelay $0x3  }
0x87: {  	v2 =	vld [tilespmem:$0x4B0];
	_ =	sdelay $0x4  }
0x88: {  	(xrf0) =	vmax.scan.msk.f32 $0xffff, v2;
	_ =	sdelay $0x3  }
0x89: {  	v7, v8, _ =	vpop @p1 (xrf1)  }
0x8a: {  	v9, v10, _ =	vpop @p1 (xrf1)  }
0x8b: {  	v11, _, _ =	vpop (xrf0);
	(v2sf) =	vpush @p1 v9, $0xF  }
0x8c: {  	(v2sf) =	vpush v11, $0xF;
	_ =	sdelay $0xd  }
0x8d: {  	s8 =	spop @p1 (v2sf)  }
0x8e: {  	s7 =	smov.u32 @p1 s8;
	s26 =	spop (v2sf)  }
0x8f: {  	p0 =	sgt.f32 s26, s7;
	_ =	sdelay $0x1  }
0x90: {  	v11 =	vld @p0 [tilespmem:$0x530];
	_ =	sdelay $0x4  }
0x91: {  	(xrf1) =	vsort.dscd.msk.f32 @p0 $0xffff, v2, v11;
	_ =	sdelay $0xa  }
0x92: {  	v2 =	vlaneseq.u32 @p0  }
0x93: {  	v2 =	vmul.u32 @p0 $0xFFFFFFFF, v2;
	_ =	sdelay $0x1  }
0x94: {  	v2 =	vadd.s32 @p0 $0xF, v2;
	v11, v12, _ =	vpop @p0 (xrf1)  }
0x95: {  	v11 =	vperm.xlane @p0 v11, v2  }
0x96: {  	v5 =	vpsel p1, v9, v5;
	v9 =	vperm.xlane @p0 v12, v2  }
0x97: {  	v6 =	vpsel p1, v10, v6;
	vm0 =	vge.f32 @p0 v5, v11  }
0x98: {  	v10 =	vsel @p0 vm0, v5, v11;
	v9 =	vsel @p0 vm0, v6, v9  }
0x99: {  	(xrf1) =	vsort.dscd.msk.f32 @p0 $0xffff, v10, v9;
	_ =	sdelay $0xd  }
0x9a: {  	v9, v10, _ =	vpop @p0 (xrf1)  }
0x9b: {  	v9 =	vperm.xlane @p0 v9, v2  }
0x9c: {  	v3 =	vpsel p1, v7, v3;
	v2 =	vperm.xlane @p0 v10, v2  }
0x9d: {  	v4 =	vpsel p1, v8, v4;
	vm0 =	vge.f32 @p0 v3, v9  }
0x9e: {  	v7 =	vsel @p0 vm0, v3, v9;
	v8 =	vsel @p0 vm0, v4, v2  }
0x9f: {  	v9 =	vsel @p0 vm0, v9, v3;
	v2 =	vsel @p0 vm0, v2, v4;
	(xrf1) =	vsort.dscd.msk.f32 @p0 $0xffff, v7, v8  }
0xa0: {  	(xrf1) =	vsort.dscd.msk.f32 @p0 $0xffff, v9, v2;
	_ =	sdelay $0x3  }
0xa1: {  	v2 =	vld [tilespmem:$0x4C0];
	_ =	sdelay $0x4  }
0xa2: {  	(xrf0) =	vmax.scan.msk.f32 $0xffff, v2;
	_ =	sdelay $0x3  }
0xa3: {  	v7, v8, _ =	vpop @p0 (xrf1)  }
0xa4: {  	v9, v10, _ =	vpop @p0 (xrf1)  }
0xa5: {  	v60, _, _ =	vpop (xrf0);
	(v2sf) =	vpush @p0 v9, $0xF  }
0xa6: {  	(v2sf) =	vpush v60, $0xF;
	_ =	sdelay $0xd  }
0xa7: {  	s8 =	spop @p0 (v2sf)  }
0xa8: {  	s7 =	smov.u32 @p0 s8;
	s28 =	spop (v2sf)  }
0xa9: {  	p1 =	sgt.f32 s28, s7;
	_ =	sdelay $0x1  }
0xaa: {  	v11 =	vld @p1 [tilespmem:$0x540];
	_ =	sdelay $0x4  }
0xab: {  	(xrf1) =	vsort.dscd.msk.f32 @p1 $0xffff, v2, v11;
	_ =	sdelay $0xa  }
0xac: {  	v2 =	vlaneseq.u32 @p1  }
0xad: {  	v2 =	vmul.u32 @p1 $0xFFFFFFFF, v2;
	_ =	sdelay $0x1  }
0xae: {  	v2 =	vadd.s32 @p1 $0xF, v2;
	v11, v12, _ =	vpop @p1 (xrf1)  }
0xaf: {  	v11 =	vperm.xlane @p1 v11, v2  }
0xb0: {  	v5 =	vpsel p0, v9, v5;
	v9 =	vperm.xlane @p1 v12, v2  }
0xb1: {  	v6 =	vpsel p0, v10, v6;
	vm0 =	vge.f32 @p1 v5, v11  }
0xb2: {  	v10 =	vsel @p1 vm0, v5, v11;
	v9 =	vsel @p1 vm0, v6, v9  }
0xb3: {  	(xrf1) =	vsort.dscd.msk.f32 @p1 $0xffff, v10, v9;
	_ =	sdelay $0xd  }
0xb4: {  	v9, v10, _ =	vpop @p1 (xrf1)  }
0xb5: {  	v9 =	vperm.xlane @p1 v9, v2  }
0xb6: {  	v3 =	vpsel p0, v7, v3;
	v2 =	vperm.xlane @p1 v10, v2  }
0xb7: {  	v4 =	vpsel p0, v8, v4;
	vm0 =	vge.f32 @p1 v3, v9  }
0xb8: {  	v7 =	vsel @p1 vm0, v3, v9;
	v8 =	vsel @p1 vm0, v4, v2  }
0xb9: {  	v9 =	vsel @p1 vm0, v9, v3;
	v2 =	vsel @p1 vm0, v2, v4;
	(xrf1) =	vsort.dscd.msk.f32 @p1 $0xffff, v7, v8  }
0xba: {  	(xrf1) =	vsort.dscd.msk.f32 @p1 $0xffff, v9, v2;
	_ =	sdelay $0x3  }
0xbb: {  	v2 =	vld [tilespmem:$0x4D0];
	_ =	sdelay $0x4  }
0xbc: {  	(xrf0) =	vmax.scan.msk.f32 $0xffff, v2;
	_ =	sdelay $0x3  }
0xbd: {  	v7, v8, _ =	vpop @p1 (xrf1)  }
0xbe: {  	v9, v10, _ =	vpop @p1 (xrf1)  }
0xbf: {  	v61, _, _ =	vpop (xrf0);
	(v2sf) =	vpush @p1 v9, $0xF  }
0xc0: {  	(v2sf) =	vpush v61, $0xF;
	_ =	sdelay $0xd  }
0xc1: {  	s8 =	spop @p1 (v2sf)  }
0xc2: {  	s7 =	smov.u32 @p1 s8;
	s29 =	spop (v2sf)  }
0xc3: {  	p0 =	sgt.f32 s29, s7;
	_ =	sdelay $0x1  }
0xc4: {  	v11 =	vld @p0 [tilespmem:$0x550];
	_ =	sdelay $0x4  }
0xc5: {  	(xrf1) =	vsort.dscd.msk.f32 @p0 $0xffff, v2, v11;
	_ =	sdelay $0xa  }
0xc6: {  	v2 =	vlaneseq.u32 @p0  }
0xc7: {  	v2 =	vmul.u32 @p0 $0xFFFFFFFF, v2;
	_ =	sdelay $0x1  }
0xc8: {  	v2 =	vadd.s32 @p0 $0xF, v2;
	v11, v12, _ =	vpop @p0 (xrf1)  }
0xc9: {  	v11 =	vperm.xlane @p0 v11, v2  }
0xca: {  	v5 =	vpsel p1, v9, v5;
	v9 =	vperm.xlane @p0 v12, v2  }
0xcb: {  	v6 =	vpsel p1, v10, v6;
	vm0 =	vge.f32 @p0 v5, v11  }
0xcc: {  	v10 =	vsel @p0 vm0, v5, v11;
	v9 =	vsel @p0 vm0, v6, v9  }
0xcd: {  	(xrf1) =	vsort.dscd.msk.f32 @p0 $0xffff, v10, v9;
	_ =	sdelay $0xd  }
0xce: {  	v9, v10, _ =	vpop @p0 (xrf1)  }
0xcf: {  	v9 =	vperm.xlane @p0 v9, v2  }
0xd0: {  	v3 =	vpsel p1, v7, v3;
	v2 =	vperm.xlane @p0 v10, v2  }
0xd1: {  	v4 =	vpsel p1, v8, v4;
	vm0 =	vge.f32 @p0 v3, v9  }
0xd2: {  	v7 =	vsel @p0 vm0, v3, v9;
	v8 =	vsel @p0 vm0, v4, v2  }
0xd3: {  	v9 =	vsel @p0 vm0, v9, v3;
	v2 =	vsel @p0 vm0, v2, v4;
	(xrf1) =	vsort.dscd.msk.f32 @p0 $0xffff, v7, v8  }
0xd4: {  	(xrf1) =	vsort.dscd.msk.f32 @p0 $0xffff, v9, v2;
	_ =	sdelay $0x3  }
0xd5: {  	v2 =	vld [tilespmem:$0x4E0];
	_ =	sdelay $0x4  }
0xd6: {  	(xrf0) =	vmax.scan.msk.f32 $0xffff, v2;
	_ =	sdelay $0x3  }
0xd7: {  	v7, v8, _ =	vpop @p0 (xrf1)  }
0xd8: {  	v9, v10, _ =	vpop @p0 (xrf1)  }
0xd9: {  	v62, _, _ =	vpop (xrf0);
	(v2sf) =	vpush @p0 v9, $0xF  }
0xda: {  	(v2sf) =	vpush v62, $0xF;
	_ =	sdelay $0xd  }
0xdb: {  	s8 =	spop @p0 (v2sf)  }
0xdc: {  	s7 =	smov.u32 @p0 s8;
	s30 =	spop (v2sf)  }
0xdd: {  	p1 =	sgt.f32 s30, s7;
	_ =	sdelay $0x1  }
0xde: {  	v11 =	vld @p1 [tilespmem:$0x560];
	_ =	sdelay $0x4  }
0xdf: {  	(xrf1) =	vsort.dscd.msk.f32 @p1 $0xffff, v2, v11;
	_ =	sdelay $0xa  }
0xe0: {  	v2 =	vlaneseq.u32 @p1  }
0xe1: {  	v2 =	vmul.u32 @p1 $0xFFFFFFFF, v2;
	_ =	sdelay $0x1  }
0xe2: {  	v2 =	vadd.s32 @p1 $0xF, v2;
	v11, v12, _ =	vpop @p1 (xrf1)  }
0xe3: {  	v11 =	vperm.xlane @p1 v11, v2  }
0xe4: {  	v5 =	vpsel p0, v9, v5;
	v9 =	vperm.xlane @p1 v12, v2  }
0xe5: {  	v6 =	vpsel p0, v10, v6;
	vm0 =	vge.f32 @p1 v5, v11  }
0xe6: {  	v10 =	vsel @p1 vm0, v5, v11;
	v9 =	vsel @p1 vm0, v6, v9  }
0xe7: {  	(xrf1) =	vsort.dscd.msk.f32 @p1 $0xffff, v10, v9;
	_ =	sdelay $0xd  }
0xe8: {  	v9, v10, _ =	vpop @p1 (xrf1)  }
0xe9: {  	v9 =	vperm.xlane @p1 v9, v2  }
0xea: {  	v3 =	vpsel p0, v7, v3;
	v2 =	vperm.xlane @p1 v10, v2  }
0xeb: {  	v4 =	vpsel p0, v8, v4;
	vm0 =	vge.f32 @p1 v3, v9  }
0xec: {  	v7 =	vsel @p1 vm0, v3, v9;
	v8 =	vsel @p1 vm0, v4, v2  }
0xed: {  	v9 =	vsel @p1 vm0, v9, v3;
	v2 =	vsel @p1 vm0, v2, v4;
	(xrf1) =	vsort.dscd.msk.f32 @p1 $0xffff, v7, v8  }
0xee: {  	(xrf1) =	vsort.dscd.msk.f32 @p1 $0xffff, v9, v2;
	_ =	sdelay $0x3  }
0xef: {  	v2 =	vld [tilespmem:$0x4F0];
	_ =	sdelay $0x4  }
0xf0: {  	(xrf0) =	vmax.scan.msk.f32 $0xffff, v2;
	_ =	sdelay $0x3  }
0xf1: {  	v7, v8, _ =	vpop @p1 (xrf1)  }
0xf2: {  	v9, v10, _ =	vpop @p1 (xrf1)  }
0xf3: {  	v63, _, _ =	vpop (xrf0);
	(v2sf) =	vpush @p1 v9, $0xF  }
0xf4: {  	(v2sf) =	vpush v63, $0xF;
	_ =	sdelay $0xd  }
0xf5: {  	s8 =	spop @p1 (v2sf)  }
0xf6: {  	s7 =	smov.u32 @p1 s8;
	s31 =	spop (v2sf)  }
0xf7: {  	p0 =	sgt.f32 s31, s7;
	_ =	sdelay $0x1  }
0xf8: {  	v11 =	vld @p0 [tilespmem:$0x570];
	_ =	sdelay $0x4  }
0xf9: {  	(xrf1) =	vsort.dscd.msk.f32 @p0 $0xffff, v2, v11;
	_ =	sdelay $0xa  }
0xfa: {  	v2 =	vlaneseq.u32 @p0  }
0xfb: {  	v2 =	vmul.u32 @p0 $0xFFFFFFFF, v2;
	_ =	sdelay $0x1  }
0xfc: {  	v2 =	vadd.s32 @p0 $0xF, v2;
	v11, v12, _ =	vpop @p0 (xrf1)  }
0xfd: {  	v11 =	vperm.xlane @p0 v11, v2  }
0xfe: {  	v5 =	vpsel p1, v9, v5;
	v9 =	vperm.xlane @p0 v12, v2  }
0xff: {  	v6 =	vpsel p1, v10, v6;
	vm0 =	vge.f32 @p0 v5, v11  }
0x100: {  	v10 =	vsel @p0 vm0, v5, v11;
	v9 =	vsel @p0 vm0, v6, v9  }
0x101: {  	(xrf1) =	vsort.dscd.msk.f32 @p0 $0xffff, v10, v9;
	_ =	sdelay $0xd  }
0x102: {  	v9, v10, _ =	vpop @p0 (xrf1)  }
0x103: {  	v9 =	vperm.xlane @p0 v9, v2  }
0x104: {  	v3 =	vpsel p1, v7, v3;
	v2 =	vperm.xlane @p0 v10, v2  }
0x105: {  	v4 =	vpsel p1, v8, v4;
	vm0 =	vge.f32 @p0 v3, v9  }
0x106: {  	v7 =	vsel @p0 vm0, v3, v9;
	v8 =	vsel @p0 vm0, v4, v2  }
0x107: {  	v9 =	vsel @p0 vm0, v9, v3;
	v2 =	vsel @p0 vm0, v2, v4;
	(xrf1) =	vsort.dscd.msk.f32 @p0 $0xffff, v7, v8  }
0x108: {  	(xrf1) =	vsort.dscd.msk.f32 @p0 $0xffff, v9, v2;
	_ =	sdelay $0xa  }
.Ltmp3:
0x109: {  	_ = 	snop;
	(pc) =	sbr.rel .LBB2_9-.Ltmp3, $4  }
0x10a: {  	_ = 	snop  }
0x10b: {  	v2, v7, _ =	vpop @p0 (xrf1)  }
0x10c: {  	v8, v9, _ =	vpop @p0 (xrf1);
	v3 =	vpsel p0, v2, v3  }
0x10d: {  	v2 =	vpsel p0, v7, v4;
	v5 =	vpsel p0, v8, v5;
	v4 =	vpsel p0, v9, v6  }
.LBB2_6:
0x10e: {  	v2 =	vld [tilespmem:$0x0]  }
0x10f: {  	v3 =	vld [tilespmem:$0x10];
	_ =	sdelay $0x2  }
0x110: {  	v4 =	vlaneseq.u32  }
0x111: {  	(xrf1) =	vsort.dscd.msk.f32 $0xffff, v2, v4;
	v2 =	vor.u32 $0x10, v4  }
0x112: {  	(xrf1) =	vsort.dscd.msk.f32 $0xffff, v3, v2;
	_ =	sdelay $0xb  }
0x113: {  	v2 =	vmul.u32 $0xFFFFFFFF, v4  }
0x114: {  	v3, v4, _ =	vpop (xrf1)  }
0x115: {  	v2 =	vadd.s32 $0xF, v2;
	v5, v6, _ =	vpop (xrf1)  }
0x116: {  	v5 =	vperm.xlane v5, v2  }
0x117: {  	v2 =	vperm.xlane v6, v2  }
0x118: {  	vm0 =	vge.f32 v3, v5  }
0x119: {  	v6 =	vsel vm0, v3, v5;
	v7 =	vsel vm0, v4, v2  }
0x11a: {  	v3 =	vsel vm0, v5, v3;
	v2 =	vsel vm0, v2, v4;
	(xrf1) =	vsort.dscd.msk.f32 $0xffff, v6, v7  }
0x11b: {  	(xrf1) =	vsort.dscd.msk.f32 $0xffff, v3, v2;
	_ =	sdelay $0x2  }
0x11c: {  	s8 =	simm.s32 $0x20  }
0x11d: {  	v6 =	vld [tilespmem:s8+$0x0];
	_ =	sdelay $0x4  }
0x11e: {  	(xrf0) =	vmax.scan.msk.f32 $0xffff, v6;
	_ =	sdelay $0x3  }
0x11f: {  	v3, v2, _ =	vpop (xrf1)  }
0x120: {  	v5, v4, _ =	vpop (xrf1)  }
0x121: {  	v7, _, _ =	vpop (xrf0);
	(v2sf) =	vpush v5, $0xF  }
0x122: {  	(v2sf) =	vpush v7, $0xF;
	_ =	sdelay $0xd  }
0x123: {  	s7 =	spop (v2sf)  }
0x124: {  	s9 =	spop (v2sf)  }
0x125: {  	p0 =	sgt.f32 s9, s7;
	_ =	sdelay $0x1  }
0x126: {  	v7 =	vlaneseq.u32 @p0  }
0x127: {  	v8 =	vor.u32 @p0 s8, v7  }
0x128: {  	(xrf1) =	vsort.dscd.msk.f32 @p0 $0xffff, v6, v8;
	_ =	sdelay $0xb  }
0x129: {  	v6 =	vmul.u32 @p0 $0xFFFFFFFF, v7;
	_ =	sdelay $0x1  }
0x12a: {  	v6 =	vadd.s32 @p0 $0xF, v6;
	v7, v8, _ =	vpop @p0 (xrf1)  }
0x12b: {  	v7 =	vperm.xlane @p0 v7, v6  }
0x12c: {  	v8 =	vperm.xlane @p0 v8, v6  }
0x12d: {  	vm0 =	vge.f32 @p0 v5, v7  }
0x12e: {  	v7 =	vsel @p0 vm0, v5, v7;
	v8 =	vsel @p0 vm0, v4, v8  }
0x12f: {  	(xrf1) =	vsort.dscd.msk.f32 @p0 $0xffff, v7, v8;
	_ =	sdelay $0xd  }
0x130: {  	v7, v8, _ =	vpop @p0 (xrf1)  }
0x131: {  	v7 =	vperm.xlane @p0 v7, v6  }
0x132: {  	v6 =	vperm.xlane @p0 v8, v6  }
0x133: {  	vm0 =	vge.f32 @p0 v3, v7  }
0x134: {  	v8 =	vsel @p0 vm0, v7, v3;
	v9 =	vsel @p0 vm0, v6, v2  }
0x135: {  	v6 =	vsel @p0 vm0, v2, v6;
	v7 =	vsel @p0 vm0, v3, v7;
	(xrf1) =	vsort.dscd.msk.f32 @p0 $0xffff, v8, v9  }
0x136: {  	s9 =	simm.s32 $0x30;
	s8 =	simm.s32 $0x30;
	(xrf1) =	vsort.dscd.msk.f32 @p0 $0xffff, v7, v6  }
.LBB2_7:
0x137: {  	v6 =	vld [tilespmem:s8+$0x0];
	s10 =	smov.u32 s9;
	_ =	sdelay $0x1  }
0x138: {  	s9 =	sadd.s32 $0x10, s9  }
0x139: {  	p1 =	sne.s32 s9, $0x400;
	_ =	sdelay $0x1  }
0x13a: {  	(xrf0) =	vmax.scan.msk.f32 $0xffff, v6;
	_ =	sdelay $0x5  }
0x13b: {  	v7, _, _ =	vpop (xrf0)  }
0x13c: {  	v8, v9, _ =	vpop @p0 (xrf1)  }
0x13d: {  	v5 =	vpsel p0, v8, v5;
	v4 =	vpsel p0, v9, v4;
	v9, v10, _ =	vpop @p0 (xrf1);
	(v2sf) =	vpush @p0 v8, $0xF  }
0x13e: {  	(v2sf) =	vpush v7, $0xF;
	v3 =	vpsel p0, v9, v3;
	v2 =	vpsel p0, v10, v2;
	_ =	sdelay $0xd  }
0x13f: {  	s11 =	spop @p0 (v2sf)  }
0x140: {  	s12 =	spop (v2sf);
	s7 =	smov.u32 @p0 s11  }
0x141: {  	p0 =	sgt.f32 s12, s7;
	_ =	sdelay $0x1  }
0x142: {  	v7 =	vlaneseq.u32 @p0  }
0x143: {  	v8 =	vor.u32 @p0 s10, v7  }
0x144: {  	(xrf1) =	vsort.dscd.msk.f32 @p0 $0xffff, v6, v8;
	_ =	sdelay $0xb  }
0x145: {  	v6 =	vmul.u32 @p0 $0xFFFFFFFF, v7;
	_ =	sdelay $0x1  }
0x146: {  	v6 =	vadd.s32 @p0 $0xF, v6;
	v7, v8, _ =	vpop @p0 (xrf1)  }
0x147: {  	v7 =	vperm.xlane @p0 v7, v6  }
0x148: {  	v8 =	vperm.xlane @p0 v8, v6  }
0x149: {  	vm0 =	vge.f32 @p0 v5, v7  }
0x14a: {  	v7 =	vsel @p0 vm0, v5, v7;
	v8 =	vsel @p0 vm0, v4, v8  }
0x14b: {  	(xrf1) =	vsort.dscd.msk.f32 @p0 $0xffff, v7, v8;
	_ =	sdelay $0xd  }
0x14c: {  	v7, v8, _ =	vpop @p0 (xrf1)  }
0x14d: {  	v7 =	vperm.xlane @p0 v7, v6  }
.Ltmp4:
0x14e: {  	v6 =	vperm.xlane @p0 v8, v6;
	(pc) =	sbr.rel @p1 .LBB2_7-.Ltmp4, $4  }
0x14f: {  	vm0 =	vge.f32 @p0 v3, v7  }
0x150: {  	v8 =	vsel @p0 vm0, v2, v6;
	v9 =	vsel @p0 vm0, v7, v3;
	v6 =	vsel @p0 vm0, v6, v2  }
0x151: {  	v7 =	vsel @p0 vm0, v3, v7;
	(xrf1) =	vsort.dscd.msk.f32 @p0 $0xffff, v9, v6  }
0x152: {  	s8 =	sadd.s32 $0x10, s8;
	(xrf1) =	vsort.dscd.msk.f32 @p0 $0xffff, v7, v8  }
0x153: {  	_ =	sdelay $0xb  }
0x154: {  	v6, v7, _ =	vpop @p0 (xrf1)  }
0x155: {  	(v2sf) =	vpush @p0 v6, $0xF;
	_ =	sdelay $0xd  }
0x156: {  	v5 =	vpsel p0, v6, v5;
	v6, v8, _ =	vpop @p0 (xrf1)  }
0x157: {  	v4 =	vpsel p0, v7, v4;
	v3 =	vpsel p0, v6, v3;
	v2 =	vpsel p0, v8, v2;
	s7 =	spop @p0 (v2sf)  }
.LBB2_9:
0x158: {  	v2 =	vshll.u32 v2, $0x4  }
0x159: {  	v2 =	vor.u32 v0, v2  }
0x15a: {  	v6 =	vshrl.u32 v2, $0x3  }
0x15b: {  	v6 =	vmul.u32 $0x30, v6  }
0x15c: {  	v7 =	vlaneseq.u32  }
0x15d: {  	v8 =	vshrl.u32 v7, $0x3;
	v1 =	vor.u32 v1, v6;
	v6 =	vand.u32 $0x7, v7  }
0x15e: {  	v8 =	vmul.u32 $0x8, v8;
	v9 =	vperm.xlane v1, v6;
	_ =	sdelay $0x1  }
0x15f: {  	v9 =	vadd.s32 v8, v9;
	_ =	sdelay $0x1  }
0x160: {  	v4 =	vshll.u32 v4, $0x4;
	(xrf2) =	vadd.scan.msk.f32 $0xffff, v3  }
0x161: {  	v0 =	vor.u32 v0, v4;
	(xrf2) =	vadd.scan.msk.f32 $0xffff, v5;
	[tilespmem:$0x400] =	vst v2;
	v2 =	vor.u32 $0x8, v7  }
0x162: {  	vm0 =	vmmov $0xffff;
	s7 =	simm.s32 $0x0;
	s8 =	simm.s32 $0x580;
	[tilespmem:$0x410] =	vst v0;
	v0 =	vperm.xlane v1, v2  }
0x163: {  	[tilespmem:s8], [sflag:$0x1] =	stream.indirect_vreg.gather [hbm4b:s3+s7], $0x80, v9, vm0, $0xb8;
	[tilespmem:$0x6880] =	vst v63  }
0x164: {  	s16 =	simm.s32 $0xD80;
	v0 =	vadd.s32 v8, v0  }
0x165: {  	[tilespmem:s16], [sflag:$0x1] =	stream.indirect_vreg.gather [hbm4b:s6+s7], $0x80, v9, vm0, $0xb8;
	[tilespmem:$0x6880] =	vst v63  }
0x166: {  	s17 =	simm.s32 $0x1580  }
0x167: {  	[tilespmem:s17], [sflag:$0x1] =	stream.indirect_vreg.gather [hbm4b:s5+s7], $0x80, v9, vm0, $0xb8;
	[tilespmem:$0x6880] =	vst v63  }
0x168: {  	s18 =	simm.s32 $0x1D80  }
0x169: {  	[tilespmem:s18], [sflag:$0x1] =	stream.indirect_vreg.gather [hbm4b:s3+s7], $0x80, v0, vm0, $0xb8;
	[tilespmem:$0x6880] =	vst v63  }
0x16a: {  	s19 =	simm.s32 $0x2580;
	v1, _, _ =	vpop (xrf2)  }
0x16b: {  	(v2sf) =	vpush v1, $0xF;
	v1, _, _ =	vpop (xrf2);
	[tilespmem:s19], [sflag:$0x1] =	stream.indirect_vreg.gather [hbm4b:s6+s7], $0x80, v0, vm0, $0xb8;
	[tilespmem:$0x6880] =	vst v63  }
0x16c: {  	s20 =	simm.s32 $0x2D80;
	(v2sf) =	vpush v1, $0xF  }
0x16d: {  	[tilespmem:s20], [sflag:$0x1] =	stream.indirect_vreg.gather [hbm4b:s5+s7], $0x80, v0, vm0, $0xb8;
	[tilespmem:$0x6880] =	vst v63  }
0x16e: {  	v0 =	vld [tilespmem:$0x410];
	_ =	sdelay $0x4  }
0x16f: {  	v1 =	vshrl.u32 v0, $0x3  }
0x170: {  	v1 =	vmul.u32 $0x30, v1  }
0x171: {  	v0 =	vand.u32 $0x7, v0  }
0x172: {  	v0 =	vor.u32 v0, v1  }
0x173: {  	v1 =	vperm.xlane v0, v6;
	_ =	sdelay $0x1  }
0x174: {  	v1 =	vadd.s32 v8, v1  }
0x175: {  	s21 =	spop (v2sf)  }
0x176: {  	s9 =	spop (v2sf)  }
0x177: {  	s8 =	sadd.f32 s9, s21  }
0x178: {  	s22 =	simm.s32 $0x3580;
	v0 =	vperm.xlane v0, v2  }
0x179: {  	v2 =	vmov s8;
	[tilespmem:s22], [sflag:$0x1] =	stream.indirect_vreg.gather [hbm4b:s3+s7], $0x80, v1, vm0, $0xb8;
	[tilespmem:$0x6880] =	vst v63  }
0x17a: {  	s23 =	simm.s32 $0x3D80;
	(erf) = vrcp.f32 v2;
	v0 =	vadd.s32 v8, v0  }
0x17b: {  	[tilespmem:s23], [sflag:$0x1] =	stream.indirect_vreg.gather [hbm4b:s6+s7], $0x80, v1, vm0, $0xb8;
	[tilespmem:$0x6880] =	vst v63  }
0x17c: {  	s24 =	simm.s32 $0x4580  }
0x17d: {  	[tilespmem:s24], [sflag:$0x1] =	stream.indirect_vreg.gather [hbm4b:s5+s7], $0x80, v1, vm0, $0xb8;
	[tilespmem:$0x6880] =	vst v63  }
0x17e: {  	s25 =	simm.s32 $0x4D80  }
0x17f: {  	[tilespmem:s25], [sflag:$0x1] =	stream.indirect_vreg.gather [hbm4b:s3+s7], $0x80, v0, vm0, $0xb8;
	[tilespmem:$0x6880] =	vst v63  }
0x180: {  	s26 =	simm.s32 $0x5580;
	s29 =	simm.s32 $0x0  }
0x181: {  	[tilespmem:s26], [sflag:$0x1] =	stream.indirect_vreg.gather [hbm4b:s6+s7], $0x80, v0, vm0, $0xb8;
	[tilespmem:$0x6880] =	vst v63  }
0x182: {  	s28 =	simm.s32 $0x5D80;
	s30 =	simm.s32 $0x1;
	s3 =	smul.u32 $0x6000, s29  }
0x183: {  	[tilespmem:s28], [sflag:$0x1] =	stream.indirect_vreg.gather [hbm4b:s5+s7], $0x80, v0, vm0, $0xb8;
	v0 =	vpop (erf);
	[tilespmem:$0x6880] =	vst v63  }
0x184: {  	_ =	swait.ge [sflag:s30], $0x6000  }
0x185: {  	s31 =	sand.u32 $0x380, s7;
	s3 =	sshra.s32 s3, $0x2;
	[sflag:s30] =	ssyncset.done $0x0  }
0x186: {  	s3 =	sor.u32 s31, s3;
	[sflag:s30] =	ssyncadd.s32 $0xFFFFA000  }
0x187: {  	v2 =	vld [tilespmem:s3+$0x19F0]  }
0x188: {  	v4 =	vld [tilespmem:s3+$0x580]  }
0x189: {  	v6 =	vld [tilespmem:s3+$0x590]  }
0x18a: {  	v7 =	vld [tilespmem:s3+$0x5A0]  }
0x18b: {  	v8 =	vld [tilespmem:s3+$0x5B0]  }
0x18c: {  	v9 =	vld [tilespmem:s3+$0x5C0]  }
0x18d: {  	v1 =	vmul.f32 s8, v0;
	v10 =	vld [tilespmem:s3+$0x5D0]  }
0x18e: {  	v11 =	vld [tilespmem:s3+$0x5E0]  }
0x18f: {  	v1 =	vsub.f32 $2.000000000e+00, v1;
	v12 =	vld [tilespmem:s3+$0x5F0]  }
0x190: {  	v13 =	vld [tilespmem:s3+$0x980]  }
0x191: {  	v14 =	vld [tilespmem:s3+$0x990];
	v0 =	vmul.f32 v1, v0  }
0x192: {  	v15 =	vld [tilespmem:s3+$0x9A0]  }
0x193: {  	v17 =	vld [tilespmem:s3+$0x9D0];
	v18 =	vmul.f32 v0, v3;
	v19 =	vmul.f32 v0, v5;
	v0 =	vmov s7  }
0x194: {  	v20 =	vld [tilespmem:s3+$0x9E0];
	v1 =	vand.u32 $0xF, v0  }
0x195: {  	v3 =	vld [tilespmem:s3+$0x9B0];
	v16 =	vperm.xlane v18, v1;
	v1 =	vperm.xlane v19, v1  }
0x196: {  	v21 =	vld [tilespmem:s3+$0xD80];
	vm15 =	vlt.u32 v0, $0x10  }
0x197: {  	v22 =	vld [tilespmem:s3+$0xD90];
	v1 =	vsel vm15, v16, v1  }
0x198: {  	v50 =	vimm.f32 $0.0e+00;
	v49 =	vimm.f32 $0.0e+00;
	v23 =	vld [tilespmem:s3+$0xDA0];
	v0 =	vmul.f32 v2, v1  }
0x199: {  	v5 =	vld [tilespmem:s3+$0x9C0];
	v2 =	vimm.f32 $0.0e+00;
	v4 =	vmul.f32 v1, v4;
	v6 =	vmul.f32 v6, v1  }
0x19a: {  	v16 =	vld [tilespmem:s3+$0x9F0];
	v7 =	vmul.f32 v7, v1;
	v3 =	vmul.f32 v3, v1;
	v0 =	vadd.f32 v0, v2  }
0x19b: {  	v47 =	vadd.f32 v4, v2;
	v4 =	vmul.f32 v8, v1;
	v8 =	vmul.f32 v9, v1;
	v9 =	vld [tilespmem:s3+$0xDB0]  }
0x19c: {  	v48 =	vadd.f32 v6, v2;
	v44 =	vadd.f32 v7, v2;
	v6 =	vmul.f32 v10, v1;
	v7 =	vld [tilespmem:s3+$0xDC0]  }
0x19d: {  	v10 =	vmul.f32 v13, v1;
	v13 =	vld [tilespmem:s3+$0xDF0];
	v32 =	vadd.f32 v3, v2;
	v3 =	vmul.f32 v17, v1  }
0x19e: {  	v45 =	vadd.f32 v4, v2;
	v38 =	vadd.f32 v8, v2;
	v4 =	vmul.f32 v11, v1;
	v8 =	vld [tilespmem:s3+$0xDD0]  }
0x19f: {  	v39 =	vadd.f32 v6, v2;
	v6 =	vmul.f32 v12, v1;
	v11 =	vld [tilespmem:s3+$0xDE0];
	v12 =	vmul.f32 v15, v1  }
0x1a0: {  	v40 =	vadd.f32 v10, v2;
	v10 =	vmul.f32 v20, v1;
	v15 =	vld [tilespmem:s3+$0x11B0];
	v42 =	vadd.f32 v3, v2  }
0x1a1: {  	v43 =	vadd.f32 v4, v2;
	v4 =	vmul.f32 v14, v1;
	v31 =	vadd.f32 v12, v2;
	v12 =	vld [tilespmem:s3+$0x11A0]  }
0x1a2: {  	v3 =	vmul.f32 v22, v1;
	v46 =	vadd.f32 v6, v2;
	v33 =	vadd.f32 v10, v2;
	v10 =	vld [tilespmem:s3+$0x11C0]  }
0x1a3: {  	v14 =	vmul.f32 v21, v1;
	v41 =	vadd.f32 v4, v2;
	v4 =	vmul.f32 v5, v1;
	v5 =	vld [tilespmem:s3+$0x1190]  }
0x1a4: {  	v20 =	vld [tilespmem:s3+$0x15B0];
	v27 =	vadd.f32 v3, v2;
	v3 =	vmul.f32 v9, v1;
	v7 =	vmul.f32 v7, v1  }
0x1a5: {  	v6 =	vld [tilespmem:s3+$0x1180];
	v26 =	vadd.f32 v14, v2;
	v37 =	vadd.f32 v4, v2;
	v4 =	vmul.f32 v16, v1  }
0x1a6: {  	v35 =	vadd.f32 v3, v2;
	v28 =	vadd.f32 v7, v2;
	v3 =	vmul.f32 v13, v1;
	v7 =	vld [tilespmem:s3+$0x1580]  }
0x1a7: {  	v14 =	vld [tilespmem:s3+$0x11D0];
	v10 =	vmul.f32 v10, v1;
	v34 =	vadd.f32 v4, v2;
	v4 =	vmul.f32 v23, v1  }
0x1a8: {  	v9 =	vld [tilespmem:s3+$0x11E0];
	v23 =	vadd.f32 v3, v2;
	v3 =	vmul.f32 v5, v1;
	v5 =	vmul.f32 v12, v1  }
0x1a9: {  	v30 =	vadd.f32 v4, v2;
	v4 =	vmul.f32 v8, v1;
	v8 =	vmul.f32 v11, v1;
	v11 =	vld [tilespmem:s3+$0x11F0]  }
0x1aa: {  	v36 =	vimm.f32 $0.0e+00;
	v16 =	vadd.f32 v10, v2;
	v21 =	vadd.f32 v5, v2;
	v5 =	vld [tilespmem:s3+$0x15C0]  }
0x1ab: {  	v7 =	vmul.f32 v7, v1;
	v29 =	vadd.f32 v4, v2;
	v4 =	vmul.f32 v6, v1;
	v6 =	vld [tilespmem:s3+$0x1590]  }
0x1ac: {  	v25 =	vadd.f32 v3, v2;
	v3 =	vmul.f32 v14, v1;
	v22 =	vadd.f32 v8, v2;
	v8 =	vld [tilespmem:s3+$0x15A0]  }
0x1ad: {  	v14 =	vimm.f32 $0.0e+00;
	v24 =	vadd.f32 v4, v2;
	v4 =	vmul.f32 v15, v1  }
0x1ae: {  	v15 =	vadd.f32 v3, v2;
	v3 =	vmul.f32 v11, v1;
	v11 =	vadd.f32 v7, v2  }
0x1af: {  	v17 =	vadd.f32 v4, v2;
	v4 =	vmul.f32 v9, v1;
	v9 =	vld [tilespmem:s3+$0x15D0];
	v62 =	vmul.f32 v5, v1  }
0x1b0: {  	v57 =	vld [tilespmem:s3+$0x15E0];
	v5 =	vimm.f32 $0.0e+00;
	v12 =	vadd.f32 v3, v2;
	v3 =	vmul.f32 v20, v1  }
0x1b1: {  	v55 =	vld [tilespmem:s3+$0x15F0];
	v13 =	vadd.f32 v4, v2;
	v4 =	vmul.f32 v6, v1;
	v6 =	vmul.f32 v8, v1  }
0x1b2: {  	v54 =	vld [tilespmem:s3+$0x1980];
	v20 =	vimm.f32 $0.0e+00;
	v7 =	vadd.f32 v3, v2;
	v3 =	vimm.f32 $0.0e+00  }
0x1b3: {  	s2 =	sadd.s32 s2, s4;
	v53 =	vld [tilespmem:s3+$0x1990];
	v10 =	vadd.f32 v4, v2;
	v8 =	vadd.f32 v6, v2;
	v6 =	vimm.f32 $0.0e+00  }
0x1b4: {  	s4 =	simm.s32 $0x1;
	s6 =	simm.s32 $0x0;
	s5 =	simm.s32 $0x2;
	v52 =	vld [tilespmem:s3+$0x19A0];
	v4 =	vimm.f32 $0.0e+00;
	v61 =	vmul.f32 v9, v1;
	v9 =	vimm.f32 $0.0e+00  }
.LBB2_10:
0x1b5: {  	p0 =	sne.s32 s5, $0x1F;
	s6 =	smul.u32 $0x6000, s6;
	v2 =	vadd.f32 v62, v2;
	v51 =	vmul.f32 v57, v1;
	v56 =	vld [tilespmem:s3+$0x19B0]  }
0x1b6: {  	s7 =	sadd.s32 $0x80, s7;
	v50 =	vadd.f32 v61, v50;
	v55 =	vmul.f32 v55, v1;
	v57 =	vld [tilespmem:s3+$0x19C0]  }
0x1b7: {  	s8 =	sand.u32 $0x380, s7;
	s6 =	sshra.s32 s6, $0x2;
	v49 =	vadd.f32 v51, v49;
	v51 =	vmul.f32 v54, v1;
	v54 =	vld [tilespmem:s3+$0x19D0]  }
0x1b8: {  	v36 =	vadd.f32 v55, v36;
	v53 =	vmul.f32 v53, v1;
	v55 =	vld [tilespmem:s3+$0x19E0];
	s3 =	sor.u32 s8, s6  }
0x1b9: {  	v58 =	vmov s4;
	s4 =	smov.u32 s5;
	v59 =	vld [tilespmem:s3+$0x19F0];
	v20 =	vadd.f32 v51, v20;
	v51 =	vmul.f32 v52, v1  }
0x1ba: {  	v52 =	vand.u32 $0xF, v58;
	v60 =	vld [tilespmem:s3+$0x580];
	v14 =	vadd.f32 v53, v14;
	v53 =	vmul.f32 v56, v1  }
0x1bb: {  	v56 =	vperm.xlane v18, v52;
	v52 =	vperm.xlane v19, v52;
	v61 =	vld [tilespmem:s3+$0x590];
	v9 =	vadd.f32 v51, v9  }
0x1bc: {  	vm0 =	vlt.u32 v58, $0x10;
	v57 =	vmul.f32 v57, v1;
	v51 =	vld [tilespmem:s3+$0x5A0];
	v54 =	vmul.f32 v54, v1  }
0x1bd: {  	v6 =	vadd.f32 v53, v6;
	v58 =	vld [tilespmem:s3+$0x5B0];
	v53 =	vmul.f32 v55, v1;
	v1 =	vsel vm0, v56, v52  }
0x1be: {  	v5 =	vadd.f32 v57, v5;
	v52 =	vld [tilespmem:s3+$0x5C0];
	v55 =	vmul.f32 v59, v1;
	v4 =	vadd.f32 v54, v4  }
0x1bf: {  	v54 =	vmul.f32 v1, v60;
	v56 =	vld [tilespmem:s3+$0x5D0];
	v3 =	vadd.f32 v53, v3  }
0x1c0: {  	v53 =	vmul.f32 v61, v1;
	v57 =	vld [tilespmem:s3+$0x5E0];
	v0 =	vadd.f32 v55, v0  }
0x1c1: {  	v47 =	vadd.f32 v54, v47;
	v51 =	vmul.f32 v51, v1;
	v54 =	vld [tilespmem:s3+$0x5F0]  }
0x1c2: {  	v48 =	vadd.f32 v53, v48;
	v53 =	vmul.f32 v58, v1;
	v55 =	vld [tilespmem:s3+$0x980]  }
0x1c3: {  	v44 =	vadd.f32 v51, v44;
	v51 =	vmul.f32 v52, v1;
	v52 =	vld [tilespmem:s3+$0x990]  }
0x1c4: {  	v45 =	vadd.f32 v53, v45;
	v53 =	vmul.f32 v56, v1;
	v56 =	vld [tilespmem:s3+$0x9A0]  }
0x1c5: {  	v38 =	vadd.f32 v51, v38;
	v51 =	vmul.f32 v57, v1;
	v57 =	vld [tilespmem:s3+$0x9B0]  }
0x1c6: {  	v39 =	vadd.f32 v53, v39;
	v53 =	vmul.f32 v54, v1;
	v54 =	vld [tilespmem:s3+$0x9C0]  }
0x1c7: {  	v43 =	vadd.f32 v51, v43;
	v51 =	vmul.f32 v55, v1;
	v55 =	vld [tilespmem:s3+$0x9D0]  }
0x1c8: {  	v46 =	vadd.f32 v53, v46;
	v52 =	vmul.f32 v52, v1;
	v53 =	vld [tilespmem:s3+$0x9E0]  }
0x1c9: {  	v40 =	vadd.f32 v51, v40;
	v51 =	vmul.f32 v56, v1;
	v56 =	vld [tilespmem:s3+$0x9F0]  }
0x1ca: {  	v41 =	vadd.f32 v52, v41;
	v52 =	vmul.f32 v57, v1;
	v57 =	vld [tilespmem:s3+$0xD80]  }
0x1cb: {  	v31 =	vadd.f32 v51, v31;
	v51 =	vmul.f32 v54, v1;
	v54 =	vld [tilespmem:s3+$0xD90]  }
0x1cc: {  	v32 =	vadd.f32 v52, v32;
	v52 =	vmul.f32 v55, v1;
	v55 =	vld [tilespmem:s3+$0xDA0]  }
0x1cd: {  	v37 =	vadd.f32 v51, v37;
	v51 =	vmul.f32 v53, v1;
	v53 =	vld [tilespmem:s3+$0xDB0]  }
0x1ce: {  	v42 =	vadd.f32 v52, v42;
	v52 =	vmul.f32 v56, v1;
	v56 =	vld [tilespmem:s3+$0xDC0]  }
0x1cf: {  	v33 =	vadd.f32 v51, v33;
	v51 =	vmul.f32 v57, v1;
	v57 =	vld [tilespmem:s3+$0xDD0]  }
0x1d0: {  	v34 =	vadd.f32 v52, v34;
	v52 =	vmul.f32 v54, v1;
	v54 =	vld [tilespmem:s3+$0xDE0]  }
0x1d1: {  	v26 =	vadd.f32 v51, v26;
	v51 =	vmul.f32 v55, v1;
	v55 =	vld [tilespmem:s3+$0xDF0]  }
0x1d2: {  	v27 =	vadd.f32 v52, v27;
	v52 =	vmul.f32 v53, v1;
	v53 =	vld [tilespmem:s3+$0x1180]  }
0x1d3: {  	v30 =	vadd.f32 v51, v30;
	v51 =	vmul.f32 v56, v1;
	v56 =	vld [tilespmem:s3+$0x1190]  }
0x1d4: {  	v35 =	vadd.f32 v52, v35;
	v52 =	vmul.f32 v57, v1;
	v57 =	vld [tilespmem:s3+$0x11A0]  }
0x1d5: {  	v28 =	vadd.f32 v51, v28;
	v51 =	vmul.f32 v54, v1;
	v54 =	vld [tilespmem:s3+$0x11B0]  }
0x1d6: {  	v29 =	vadd.f32 v52, v29;
	v52 =	vmul.f32 v55, v1;
	v55 =	vld [tilespmem:s3+$0x11C0]  }
0x1d7: {  	v22 =	vadd.f32 v51, v22;
	v51 =	vmul.f32 v53, v1;
	v53 =	vld [tilespmem:s3+$0x11D0]  }
0x1d8: {  	v23 =	vadd.f32 v52, v23;
	v52 =	vmul.f32 v56, v1;
	v56 =	vld [tilespmem:s3+$0x11E0]  }
0x1d9: {  	v24 =	vadd.f32 v51, v24;
	v51 =	vmul.f32 v57, v1;
	v57 =	vld [tilespmem:s3+$0x11F0]  }
0x1da: {  	v25 =	vadd.f32 v52, v25;
	v52 =	vmul.f32 v54, v1;
	v54 =	vld [tilespmem:s3+$0x1580]  }
0x1db: {  	v21 =	vadd.f32 v51, v21;
	v51 =	vmul.f32 v55, v1;
	v55 =	vld [tilespmem:s3+$0x1590]  }
0x1dc: {  	v17 =	vadd.f32 v52, v17;
	v52 =	vmul.f32 v53, v1;
	v53 =	vld [tilespmem:s3+$0x15A0]  }
0x1dd: {  	v16 =	vadd.f32 v51, v16;
	v51 =	vmul.f32 v56, v1;
	v56 =	vld [tilespmem:s3+$0x15B0]  }
0x1de: {  	v15 =	vadd.f32 v52, v15;
	v52 =	vmul.f32 v57, v1;
	v58 =	vld [tilespmem:s3+$0x15C0]  }
0x1df: {  	v13 =	vadd.f32 v51, v13;
	v51 =	vmul.f32 v54, v1;
	v59 =	vld [tilespmem:s3+$0x15D0]  }
.Ltmp5:
0x1e0: {  	v12 =	vadd.f32 v52, v12;
	v52 =	vmul.f32 v55, v1;
	v57 =	vld [tilespmem:s3+$0x15E0];
	(pc) =	sbr.rel @p0 .LBB2_10-.Ltmp5, $4  }
0x1e1: {  	v11 =	vadd.f32 v51, v11;
	v51 =	vmul.f32 v53, v1;
	v55 =	vld [tilespmem:s3+$0x15F0]  }
0x1e2: {  	v10 =	vadd.f32 v52, v10;
	v52 =	vmul.f32 v56, v1;
	v54 =	vld [tilespmem:s3+$0x1980]  }
0x1e3: {  	v8 =	vadd.f32 v51, v8;
	v62 =	vmul.f32 v58, v1;
	v53 =	vld [tilespmem:s3+$0x1990]  }
0x1e4: {  	s5 =	sadd.s32 $0x1, s5;
	s6 =	sshrl.u32 s4, $0x3;
	v7 =	vadd.f32 v52, v7;
	v61 =	vmul.f32 v59, v1;
	v52 =	vld [tilespmem:s3+$0x19A0]  }
0x1e5: {  	s5 =	smul.u32 $0x6000, s6  }
0x1e6: {  	s26 =	sadd.s32 $0x80, s7  }
0x1e7: {  	s6 =	sand.u32 $0x380, s26;
	s5 =	sshra.s32 s5, $0x2  }
0x1e8: {  	s5 =	sor.u32 s6, s5  }
0x1e9: {  	v63 =	vld [tilespmem:s5+$0x19F0];
	_ =	sdelay $0x4  }
0x1ea: {  	[tilespmem:$0x1FFF0] =	vst v63;
	v63 =	vld [tilespmem:s5+$0x5C0];
	_ =	sdelay $0x4  }
0x1eb: {  	[tilespmem:$0x1FD30] =	vst v63;
	v63 =	vld [tilespmem:s5+$0x5E0];
	_ =	sdelay $0x3  }
0x1ec: {  	v56 =	vld [tilespmem:s5+$0x5B0]  }
0x1ed: {  	[tilespmem:$0x1FD50] =	vst v63;
	v63 =	vld [tilespmem:s5+$0x980];
	_ =	sdelay $0x3  }
0x1ee: {  	[tilespmem:$0x1FD20] =	vst v56;
	v56 =	vld [tilespmem:s5+$0x5D0]  }
0x1ef: {  	[tilespmem:$0x1FD70] =	vst v63;
	v63 =	vld [tilespmem:s5+$0x9A0];
	_ =	sdelay $0x3  }
0x1f0: {  	[tilespmem:$0x1FD40] =	vst v56;
	v56 =	vld [tilespmem:s5+$0x5F0]  }
0x1f1: {  	[tilespmem:$0x1FD90] =	vst v63;
	v63 =	vld [tilespmem:s5+$0x9C0];
	_ =	sdelay $0x3  }
0x1f2: {  	[tilespmem:$0x1FD60] =	vst v56;
	v56 =	vld [tilespmem:s5+$0x990]  }
0x1f3: {  	[tilespmem:$0x1FDB0] =	vst v63;
	v63 =	vld [tilespmem:s5+$0x9E0];
	_ =	sdelay $0x3  }
0x1f4: {  	[tilespmem:$0x1FD80] =	vst v56;
	v56 =	vld [tilespmem:s5+$0x9B0]  }
0x1f5: {  	[tilespmem:$0x1FDD0] =	vst v63;
	v63 =	vld [tilespmem:s5+$0xD80];
	_ =	sdelay $0x3  }
0x1f6: {  	[tilespmem:$0x1FDA0] =	vst v56;
	v56 =	vld [tilespmem:s5+$0x9D0]  }
0x1f7: {  	[tilespmem:$0x1FDF0] =	vst v63;
	v63 =	vld [tilespmem:s5+$0xDA0];
	_ =	sdelay $0x3  }
0x1f8: {  	[tilespmem:$0x1FDC0] =	vst v56;
	v56 =	vld [tilespmem:s5+$0x9F0]  }
0x1f9: {  	[tilespmem:$0x1FE10] =	vst v63;
	v63 =	vld [tilespmem:s5+$0xDC0];
	_ =	sdelay $0x3  }
0x1fa: {  	[tilespmem:$0x1FDE0] =	vst v56;
	v56 =	vld [tilespmem:s5+$0xD90]  }
0x1fb: {  	[tilespmem:$0x1FE30] =	vst v63;
	v63 =	vld [tilespmem:s5+$0xDE0];
	_ =	sdelay $0x3  }
0x1fc: {  	[tilespmem:$0x1FE00] =	vst v56;
	v56 =	vld [tilespmem:s5+$0xDB0]  }
0x1fd: {  	[tilespmem:$0x1FE50] =	vst v63;
	v63 =	vld [tilespmem:s5+$0x1180];
	_ =	sdelay $0x3  }
0x1fe: {  	[tilespmem:$0x1FE20] =	vst v56;
	v56 =	vld [tilespmem:s5+$0xDD0]  }
0x1ff: {  	[tilespmem:$0x1FE70] =	vst v63;
	v63 =	vld [tilespmem:s5+$0x11A0];
	_ =	sdelay $0x3  }
0x200: {  	[tilespmem:$0x1FE40] =	vst v56;
	v56 =	vld [tilespmem:s5+$0xDF0]  }
0x201: {  	[tilespmem:$0x1FE90] =	vst v63;
	v63 =	vld [tilespmem:s5+$0x11C0];
	_ =	sdelay $0x3  }
0x202: {  	[tilespmem:$0x1FE60] =	vst v56;
	v56 =	vld [tilespmem:s5+$0x1190]  }
0x203: {  	[tilespmem:$0x1FEB0] =	vst v63;
	v63 =	vld [tilespmem:s5+$0x11E0];
	_ =	sdelay $0x3  }
0x204: {  	[tilespmem:$0x1FE80] =	vst v56;
	v56 =	vld [tilespmem:s5+$0x11B0]  }
0x205: {  	[tilespmem:$0x1FED0] =	vst v63;
	v63 =	vld [tilespmem:s5+$0x1580];
	_ =	sdelay $0x3  }
0x206: {  	[tilespmem:$0x1FEA0] =	vst v56;
	v56 =	vld [tilespmem:s5+$0x11D0]  }
0x207: {  	[tilespmem:$0x1FEF0] =	vst v63;
	v63 =	vld [tilespmem:s5+$0x15A0];
	_ =	sdelay $0x3  }
0x208: {  	[tilespmem:$0x1FEC0] =	vst v56;
	v56 =	vld [tilespmem:s5+$0x11F0]  }
0x209: {  	[tilespmem:$0x1FF10] =	vst v63;
	v63 =	vld [tilespmem:s5+$0x15C0];
	_ =	sdelay $0x3  }
0x20a: {  	[tilespmem:$0x1FEE0] =	vst v56;
	v56 =	vld [tilespmem:s5+$0x1590]  }
0x20b: {  	[tilespmem:$0x1FF30] =	vst v63;
	v63 =	vld [tilespmem:s5+$0x15E0];
	_ =	sdelay $0x3  }
0x20c: {  	[tilespmem:$0x1FF00] =	vst v56;
	v56 =	vld [tilespmem:s5+$0x15B0]  }
0x20d: {  	[tilespmem:$0x1FF60] =	vst v63;
	v63 =	vld [tilespmem:s5+$0x15F0]  }
0x20e: {  	v51 =	vld [tilespmem:s3+$0x19B0]  }
0x20f: {  	v58 =	vld [tilespmem:s3+$0x19C0]  }
0x210: {  	v60 =	vld [tilespmem:s3+$0x19E0]  }
0x211: {  	[tilespmem:$0x1FF20] =	vst v56;
	v56 =	vld [tilespmem:s5+$0x15D0]  }
0x212: {  	[tilespmem:$0x1FF70] =	vst v63;
	v63 =	vld [tilespmem:s5+$0x1990]  }
0x213: {  	[tilespmem:$0x1FF50] =	vst v51  }
0x214: {  	v59 =	vld [tilespmem:s3+$0x19D0];
	[tilespmem:$0x1FF80] =	vst v58  }
0x215: {  	[tilespmem:$0x1FFC0] =	vst v60;
	v58 =	vld [tilespmem:s5+$0x580]  }
0x216: {  	v60 =	vld [tilespmem:s5+$0x5A0];
	[tilespmem:$0x1FF40] =	vst v56;
	v56 =	vmov s4  }
0x217: {  	v51 =	vand.u32 $0xF, v56;
	[tilespmem:$0x1FFA0] =	vst v63;
	v63 =	vld [tilespmem:s5+$0x19B0]  }
0x218: {  	v18 =	vperm.xlane v18, v51;
	v51 =	vperm.xlane v19, v51  }
0x219: {  	vm0 =	vlt.u32 v56, $0x10  }
0x21a: {  	[tilespmem:$0x1FF90] =	vst v59;
	v59 =	vld [tilespmem:s5+$0x590];
	v18 =	vsel vm0, v18, v51  }
0x21b: {  	v51 =	vmul.f32 v18, v58;
	v58 =	vmul.f32 v60, v18;
	v60 =	vld [tilespmem:$0x1FD20]  }
0x21c: {  	[tilespmem:$0x1FFD0] =	vst v63;
	v63 =	vld [tilespmem:s5+$0x19C0]  }
0x21d: {  	v56 =	vld [tilespmem:s5+$0x19A0];
	_ =	sdelay $0x2  }
0x21e: {  	v19 =	vld [tilespmem:s5+$0x1980]  }
0x21f: {  	[tilespmem:$0x1FFE0] =	vst v63;
	v63 =	vmul.f32 v60, v18;
	v60 =	vld [tilespmem:$0x1FD30]  }
0x220: {  	[tilespmem:$0x1FFB0] =	vst v56;
	v56 =	vmul.f32 v59, v18;
	v59 =	vld [tilespmem:$0x1FD60]  }
0x221: {  	v45 =	vadd.f32 v63, v45;
	v63 =	vld [tilespmem:$0x1FD40]  }
0x222: {  	v51 =	vadd.f32 v51, v47;
	v47 =	vld [tilespmem:s5+$0x19D0]  }
0x223: {  	v56 =	vadd.f32 v56, v48;
	v48 =	vld [tilespmem:s5+$0x19E0]  }
0x224: {  	[tilespmem:$0x6580] =	vst v51;
	v51 =	vmul.f32 v60, v18;
	v60 =	vld [tilespmem:$0x1FD70]  }
0x225: {  	[tilespmem:$0x65B0] =	vst v45;
	v45 =	vmul.f32 v59, v18  }
0x226: {  	v44 =	vadd.f32 v58, v44;
	v58 =	vld [tilespmem:$0x1FD50];
	[tilespmem:$0x6590] =	vst v56;
	v56 =	vmul.f32 v63, v18  }
0x227: {  	v38 =	vadd.f32 v51, v38;
	v63 =	vadd.f32 v45, v46;
	v45 =	vld [tilespmem:$0x1FD80]  }
0x228: {  	v39 =	vadd.f32 v56, v39;
	v56 =	vld [tilespmem:$0x1FDB0]  }
0x229: {  	[tilespmem:$0x65C0] =	vst v38;
	v38 =	vmul.f32 v60, v18  }
0x22a: {  	v51 =	vld [tilespmem:$0x1FDA0]  }
0x22b: {  	[tilespmem:$0x65A0] =	vst v44;
	v46 =	vld [tilespmem:$0x1FD90];
	v38 =	vadd.f32 v38, v40  }
0x22c: {  	v44 =	vmul.f32 v58, v18;
	v58 =	vld [tilespmem:$0x1FDC0];
	[tilespmem:$0x65D0] =	vst v39;
	v39 =	vmul.f32 v45, v18  }
0x22d: {  	v2 =	vadd.f32 v62, v2;
	v62 =	vld [tilespmem:$0x1FEC0];
	[tilespmem:$0x6600] =	vst v38;
	v38 =	vmul.f32 v56, v18  }
0x22e: {  	[tilespmem:$0x65F0] =	vst v63;
	v63 =	vld [tilespmem:$0x1FDE0];
	v39 =	vadd.f32 v39, v41  }
0x22f: {  	v59 =	vld [tilespmem:$0x1FDD0];
	v41 =	vmul.f32 v51, v18;
	v37 =	vadd.f32 v38, v37  }
0x230: {  	v43 =	vadd.f32 v44, v43;
	v40 =	vmul.f32 v46, v18;
	[tilespmem:$0x6610] =	vst v39;
	v38 =	vld [tilespmem:$0x1FE00]  }
0x231: {  	v32 =	vadd.f32 v41, v32;
	v39 =	vmul.f32 v58, v18;
	[tilespmem:$0x6640] =	vst v37;
	v37 =	vld [tilespmem:$0x1FDF0]  }
0x232: {  	[tilespmem:$0x65E0] =	vst v43;
	v31 =	vadd.f32 v40, v31;
	v40 =	vld [tilespmem:$0x1FE20]  }
0x233: {  	v60 =	vadd.f32 v39, v42;
	[tilespmem:$0x6630] =	vst v32;
	v32 =	vmul.f32 v63, v18;
	v39 =	vld [tilespmem:$0x1FE10]  }
0x234: {  	v43 =	vld [tilespmem:$0x1FE40];
	[tilespmem:$0x6620] =	vst v31;
	v31 =	vmul.f32 v59, v18  }
0x235: {  	v41 =	vld [tilespmem:$0x1FE30];
	v32 =	vadd.f32 v32, v34;
	v34 =	vmul.f32 v38, v18  }
0x236: {  	v45 =	vld [tilespmem:$0x1FE60];
	v31 =	vadd.f32 v31, v33;
	[tilespmem:$0x6650] =	vst v60;
	v33 =	vmul.f32 v37, v18  }
0x237: {  	v44 =	vld [tilespmem:$0x1FE50];
	[tilespmem:$0x6670] =	vst v32;
	v32 =	vmul.f32 v40, v18;
	v27 =	vadd.f32 v34, v27  }
0x238: {  	v51 =	vld [tilespmem:$0x1FE80];
	[tilespmem:$0x6660] =	vst v31;
	v31 =	vmul.f32 v39, v18;
	v26 =	vadd.f32 v33, v26  }
0x239: {  	v39 =	vld [tilespmem:$0x1FF30];
	v42 =	vadd.f32 v32, v35;
	[tilespmem:$0x6690] =	vst v27;
	v27 =	vmul.f32 v43, v18  }
0x23a: {  	v61 =	vadd.f32 v61, v50;
	v46 =	vld [tilespmem:$0x1FE70];
	v30 =	vadd.f32 v31, v30;
	[tilespmem:$0x6680] =	vst v26;
	v26 =	vmul.f32 v41, v18  }
0x23b: {  	v56 =	vld [tilespmem:$0x1FE90];
	v63 =	vmul.f32 v55, v1;
	[tilespmem:$0x66B0] =	vst v42;
	v27 =	vadd.f32 v27, v29;
	v29 =	vmul.f32 v45, v18  }
0x23c: {  	[tilespmem:$0x66A0] =	vst v30;
	v30 =	vmul.f32 v54, v1;
	v41 =	vld [tilespmem:$0x1FF40];
	v26 =	vadd.f32 v26, v28;
	v28 =	vmul.f32 v44, v18  }
0x23d: {  	v58 =	vld [tilespmem:$0x1FEA0];
	v32 =	vadd.f32 v63, v36;
	v23 =	vadd.f32 v29, v23;
	[tilespmem:$0x66D0] =	vst v27;
	v27 =	vmul.f32 v51, v18  }
0x23e: {  	v60 =	vld [tilespmem:$0x1FEB0];
	v36 =	vadd.f32 v30, v20;
	v20 =	vmul.f32 v39, v18;
	v22 =	vadd.f32 v28, v22;
	[tilespmem:$0x66C0] =	vst v26  }
0x23f: {  	v34 =	vmul.f32 v53, v1;
	v29 =	vld [tilespmem:$0x1FEE0];
	v51 =	vmul.f32 v19, v18;
	v25 =	vadd.f32 v27, v25;
	[tilespmem:$0x66F0] =	vst v23  }
0x240: {  	v38 =	vmul.f32 v52, v1;
	v52 =	vld [tilespmem:$0x1FF90];
	v26 =	vmul.f32 v46, v18;
	v2 =	vadd.f32 v20, v2;
	[tilespmem:$0x66E0] =	vst v22  }
0x241: {  	v37 =	vld [tilespmem:$0x1FF20];
	v40 =	vadd.f32 v34, v14;
	v54 =	vadd.f32 v51, v36;
	v14 =	vmul.f32 v41, v18;
	[tilespmem:$0x6710] =	vst v25  }
0x242: {  	v53 =	vld [tilespmem:$0x1FFA0];
	v24 =	vadd.f32 v26, v24;
	v22 =	vmul.f32 v56, v18;
	[tilespmem:$0x67C0] =	vst v2  }
0x243: {  	v33 =	vld [tilespmem:$0x1FF00];
	v26 =	vmul.f32 v58, v18;
	[tilespmem:$0x6800] =	vst v54;
	v45 =	vadd.f32 v14, v61  }
0x244: {  	v27 =	vld [tilespmem:$0x1FED0];
	v23 =	vmul.f32 v29, v18;
	v21 =	vadd.f32 v22, v21;
	[tilespmem:$0x6700] =	vst v24  }
0x245: {  	v35 =	vld [tilespmem:$0x1FF10];
	v2 =	vmul.f32 v52, v1;
	v22 =	vmul.f32 v60, v18;
	v17 =	vadd.f32 v26, v17;
	[tilespmem:$0x67D0] =	vst v45  }
0x246: {  	v46 =	vld [tilespmem:$0x1FF70];
	v26 =	vmul.f32 v62, v18;
	v12 =	vadd.f32 v23, v12;
	[tilespmem:$0x6720] =	vst v21  }
0x247: {  	v31 =	vld [tilespmem:$0x1FEF0];
	v61 =	vmul.f32 v47, v18;
	v2 =	vadd.f32 v2, v4;
	v16 =	vadd.f32 v22, v16;
	[tilespmem:$0x6730] =	vst v17  }
0x248: {  	v43 =	vld [tilespmem:$0x1FF60];
	v23 =	vmul.f32 v33, v18;
	v15 =	vadd.f32 v26, v15;
	[tilespmem:$0x6770] =	vst v12  }
0x249: {  	v59 =	vmul.f32 v57, v1;
	v56 =	vld [tilespmem:$0x1FFC0];
	v22 =	vmul.f32 v27, v18;
	v2 =	vadd.f32 v61, v2;
	[tilespmem:$0x6740] =	vst v16  }
0x24a: {  	v42 =	vld [tilespmem:$0x1FF50];
	v17 =	vmul.f32 v37, v18;
	v10 =	vadd.f32 v23, v10;
	[tilespmem:$0x6750] =	vst v15  }
0x24b: {  	v28 =	vadd.f32 v59, v49;
	v49 =	vld [tilespmem:$0x1FF80];
	v12 =	vmul.f32 v46, v18;
	v13 =	vadd.f32 v22, v13;
	[tilespmem:$0x6850] =	vst v2  }
0x24c: {  	v55 =	vld [tilespmem:$0x1FFB0];
	v44 =	vadd.f32 v38, v9;
	v22 =	vmul.f32 v31, v18;
	v7 =	vadd.f32 v17, v7;
	[tilespmem:$0x6790] =	vst v10  }
0x24d: {  	v58 =	vld [tilespmem:$0x1FFD0];
	v62 =	vmul.f32 v48, v18;
	v15 =	vmul.f32 v43, v18;
	v12 =	vadd.f32 v12, v32;
	[tilespmem:$0x6760] =	vst v13  }
0x24e: {  	v63 =	vld [tilespmem:$0x1FFF0];
	v57 =	vmul.f32 v56, v1;
	v11 =	vadd.f32 v22, v11;
	v22 =	vmul.f32 v35, v18;
	[tilespmem:$0x67B0] =	vst v7  }
0x24f: {  	v60 =	vld [tilespmem:$0x1FFE0];
	v16 =	vmul.f32 v53, v18;
	v10 =	vmul.f32 v42, v1;
	v50 =	vadd.f32 v15, v28;
	[tilespmem:$0x67F0] =	vst v12  }
0x250: {  	v7 =	vmul.f32 v49, v1;
	v1 =	vadd.f32 v57, v3;
	v8 =	vadd.f32 v22, v8;
	[tilespmem:$0x6780] =	vst v11  }
0x251: {  	v6 =	vadd.f32 v10, v6;
	v10 =	vmul.f32 v55, v18;
	[tilespmem:$0x67E0] =	vst v50;
	v11 =	vadd.f32 v16, v40  }
0x252: {  	v13 =	vmul.f32 v58, v18;
	v1 =	vadd.f32 v62, v1;
	[tilespmem:$0x67A0] =	vst v8  }
0x253: {  	v5 =	vadd.f32 v7, v5;
	v7 =	vmul.f32 v63, v18;
	v59 =	vadd.f32 v10, v44;
	[tilespmem:$0x6810] =	vst v11  }
0x254: {  	v6 =	vadd.f32 v13, v6;
	v8 =	vmul.f32 v60, v18;
	[tilespmem:$0x6860] =	vst v1  }
0x255: {  	v0 =	vadd.f32 v7, v0;
	[tilespmem:$0x6820] =	vst v59  }
0x256: {  	[tilespmem:$0x6830] =	vst v6;
	v5 =	vadd.f32 v8, v5  }
0x257: {  	s28 =	simm.s32 $0x80;
	[tilespmem:$0x6870] =	vst v0  }
0x258: {  	s29 =	simm.s32 $0x400;
	s30 =	simm.s32 $0x6580;
	s31 =	simm.s32 $0x2;
	[tilespmem:$0x6840] =	vst v5  }
0x259: {  	[hbm4b:s2+s28] =	stream.strided.scatter [tilespmem:s30], [sflag:$0x2], $0x300, s29, s28, $0x38;
	[tilespmem:$0x6880] =	vst v63  }
0x25a: {  	_ =	swait.ge [sflag:s31], $0x300  }
0x25b: {  	[sflag:s31] =	ssyncset.done $0x0  }
0x25c: {  	[sflag:s31] =	ssyncadd.s32 $0xFFFFFD00  }
0x25d: {  	_ =	sfence.sel $0x180000  }
0x25e: {  	[bflag:$0x0] =	sbarrier.arrive $0xFFFF  }
0x25f: {  	p0 =	sne.s32 s1, $0x0;
	_ =	strace $0x90000047  }
0x260: {  	s0 =	sadd.s32 @!p0 $0x100000, s0;
	[bflag:$0x2] =	sbarrier.arrive $0xFFFF  }
0x261: {  	[sflag:s0] =	ssyncadd.tile.s32 @!p0 $0x1;
	_ =	shalt  }
.Lfunc_end2:
_tile_overlayer_lowered:
.L_overlay_start_2:
0x262: {  	(tag) =	ssettag $0x2  }
0x263: {  	s0 =	rddreg [dreg:$0x0];
	s2 =	stileid.u32  }
0x264: {  	s1 =	rddreg [dreg:$0x1];
	p0 =	sne.s32 s2, $0x0  }
0x265: {  	s3 =	rddreg [dreg:$0x2];
	[bflag:$0x3] =	sbarrier.arrive $0xFFFF;
	s2 =	simm.s32 @!p0 $0x1C02  }
0x266: {  	[timem:s3], [sflag:s2] =	dma.local @!p0 [hbm:s0], s1  }
0x267: {  	s0 =	simm.s32 @!p0 $0x2  }
0x268: {  	_ =	swait.ge @!p0 [sflag:s0], s1  }
0x269: {  	s1 =	ssub.s32 @!p0 $0x0, s1;
	[sflag:s0] =	ssyncset.done @!p0 $0x0  }
0x26a: {  	[sflag:s0] =	ssyncadd.s32 @!p0 s1  }
0x26b: {  	[bflag:$0x3] =	sbarrier.arrive $0xFFFF  }
0x26c: {  	_ =	shalt  }

</sc_bundles>
